<compile_context>
chip_gen: v7x
topology: tpu7x:2x2x1
jax: 0.10.2.dev20260603
libtpu: 0.0.44.dev20260713+nightly
codegen_flags: <defaults>
</compile_context>

<pallas_src>
import functools

import numpy as np

import jax
import jax.numpy as jnp
from jax import lax
from jax.experimental import pallas as pl
from jax.experimental.pallas import tpu as pltpu
from jax.experimental.pallas import tpu_sc as plsc

NC = 2
NS = 16
NW = NC * NS
B = 128
R = 2000


def _cdiv(a, b):
    return (a + b - 1) // b



def _sc_mesh():
    return plsc.VectorSubcoreMesh(core_axis_name="c", subcore_axis_name="s",
                                  num_cores=NC, num_subcores=NS)


def _make_hist(nblk, npad, pw):
    zr = npad // NW
    grp = 8
    ngrp = pw // grp

    @functools.partial(
        pl.kernel,
        out_type=jax.ShapeDtypeStruct((NC, npad, 8), jnp.float32),
        mesh=_sc_mesh(),
        scratch_types=[
            pltpu.VMEM((pw, B), jnp.int32),
            pltpu.VMEM((B, 8), jnp.float32),
            pltpu.VMEM_SHARED((npad, 8), jnp.float32),
            pltpu.SemaphoreType.DMA,
        ],
    )
    def hist(idx_hbm, ones_hbm, zrow_hbm, out_hbm, idx_all, ones_v, acc, sem):
        cid = lax.axis_index("c")
        sid = lax.axis_index("s")
        wid = sid * NC + cid
        row0 = sid * zr
        pltpu.sync_copy(zrow_hbm, acc.at[pl.ds(row0, zr)])
        pltpu.sync_copy(ones_hbm, ones_v)
        pltpu.sync_copy(idx_hbm.at[1, pl.ds(wid * pw, pw)], idx_all)
        plsc.subcore_barrier()

        def body(i, carry):
            pltpu.sync_copy(ones_v, acc.at[idx_all.at[i]], add=True)
            return carry

        lax.fori_loop(0, pw, body, 0)
        plsc.subcore_barrier()
        pltpu.sync_copy(acc.at[pl.ds(row0, zr)],
                        out_hbm.at[cid, pl.ds(row0, zr)])

    return hist


def _make_agg(n, d, nblk, npad, pw):
    zr = npad // NW
    budget = (2097151 - npad * d) // NS - 2 * B * d - 256
    cb = 1
    for c in range(1, pw + 1):
        if pw % c == 0 and c * 2 * B <= budget:
            cb = c
    nch = pw // cb

    @functools.partial(
        pl.kernel,
        out_type=jax.ShapeDtypeStruct((NC, npad, d), jnp.float32),
        mesh=_sc_mesh(),
        scratch_types=[
            pltpu.VMEM((2, cb, B), jnp.int32),
            pltpu.VMEM((2, B, d), jnp.float32),
            pltpu.VMEM_SHARED((npad, d), jnp.float32),
            pltpu.SemaphoreType.DMA,
            pltpu.SemaphoreType.DMA,
            pltpu.SemaphoreType.DMA,
        ],
    )
    def agg(u_hbm, idx_hbm, zrow_hbm, out_hbm, idx_all, rows2, acc,
            g0, g1, ssem):
        cid = lax.axis_index("c")
        sid = lax.axis_index("s")
        wid = sid * NC + cid
        row0 = sid * zr
        pltpu.sync_copy(zrow_hbm, acc.at[pl.ds(row0, zr)])
        plsc.subcore_barrier()

        def wait_gather(j, sem):
            pltpu.make_async_copy(u_hbm.at[idx_all.at[0, 0]],
                                  rows2.at[j], sem).wait()

        def wait_scatter(j):
            pltpu.make_async_copy(rows2.at[j], acc.at[idx_all.at[1, 0]],
                                  ssem).wait()

        def outer(c, carry):
            pltpu.sync_copy(
                idx_hbm.at[:, pl.ds(wid * pw + c * cb, cb), :], idx_all)
            pltpu.async_copy(u_hbm.at[idx_all.at[0, 0]], rows2.at[0], g0)

            def body(t, inner):
                i0 = 2 * t
                i1 = i0 + 1

                @pl.when(t >= 1)
                def _():
                    wait_scatter(1)

                pltpu.async_copy(u_hbm.at[idx_all.at[0, i1]], rows2.at[1], g1)
                wait_gather(0, g0)
                pltpu.async_copy(rows2.at[0], acc.at[idx_all.at[1, i0]],
                                 ssem, add=True)
                wait_gather(1, g1)
                wait_scatter(0)

                @pl.when(i1 + 1 < cb)
                def _():
                    pltpu.async_copy(u_hbm.at[idx_all.at[0, i1 + 1]],
                                     rows2.at[0], g0)

                pltpu.async_copy(rows2.at[1], acc.at[idx_all.at[1, i1]],
                                 ssem, add=True)
                return inner

            lax.fori_loop(0, cb // 2, body, 0)
            wait_scatter(1)
            return carry

        lax.fori_loop(0, nch, outer, 0)
        plsc.subcore_barrier()
        pltpu.sync_copy(acc.at[pl.ds(row0, zr)],
                        out_hbm.at[cid, pl.ds(row0, zr)])

    return agg



def _s1_body(x_ref, w_ref, hist_ref, u_ref, dinv_ref):
    deg = (hist_ref[0] + hist_ref[1]).astype(jnp.float32)
    dinv = lax.rsqrt(deg[:, 0:1] + 1.0)
    xw = jnp.dot(x_ref[...], w_ref[...], preferred_element_type=jnp.float32)
    u_ref[...] = xw * dinv
    dinv_ref[...] = dinv


def _s2_body(p_ref, u1_ref, dinv_ref, b_ref, w_ref, u_ref):
    dinv = dinv_ref[...]
    s = (p_ref[0] + p_ref[1] + u1_ref[...]) * dinv + b_ref[...]
    h = jnp.maximum(s, 0.0)
    u_ref[...] = jnp.dot(h, w_ref[...], preferred_element_type=jnp.float32) * dinv


def _s3_body(q_ref, u2_ref, dinv_ref, bm_ref, bl_ref, zm_ref, zl_ref):
    dz = bm_ref.shape[1]
    s = (q_ref[0] + q_ref[1] + u2_ref[...]) * dinv_ref[...]
    zm_ref[...] = s[:, :dz] + bm_ref[...]
    zl_ref[...] = s[:, dz:] + bl_ref[...]



def kernel(x, edge_index, W1, b1, W_mu, b_mu, W_ls, b_ls):
    n, d_in = x.shape
    d_h = W1.shape[1]
    d_z = W_mu.shape[1]
    e = edge_index.shape[1]

    npad = NW * 8 * _cdiv(n + 1, NW * 8)
    pw = 8 * _cdiv(e, NW * B * 8)
    nblk = pw * NW
    epad = nblk * B
    grid = n // R

    pad = epad - e
    if pad:
        pad_cols = np.stack([np.arange(pad, dtype=np.int32) % n,
                             np.full((pad,), n, dtype=np.int32)])
        eip = jnp.concatenate([edge_index, jnp.asarray(pad_cols)], axis=1)
    else:
        eip = edge_index
    eip = eip.reshape(2, nblk, B)

    ones8 = jnp.ones((B, 8), jnp.float32)
    zrow8 = jnp.zeros((npad // NW, 8), jnp.float32)
    zrowd = jnp.zeros((npad // NW, d_h), jnp.float32)

    hist = _make_hist(nblk, npad, pw)(eip, ones8, zrow8)

    u1, dinv = pl.pallas_call(
        _s1_body,
        grid=(grid,),
        in_specs=[
            pl.BlockSpec((R, d_in), lambda i: (i, 0)),
            pl.BlockSpec((d_in, d_h), lambda i: (0, 0)),
            pl.BlockSpec((NC, R, 8), lambda i: (0, i, 0)),
        ],
        out_specs=[
            pl.BlockSpec((R, d_h), lambda i: (i, 0)),
            pl.BlockSpec((R, 1), lambda i: (i, 0)),
        ],
        out_shape=[
            jax.ShapeDtypeStruct((n, d_h), jnp.float32),
            jax.ShapeDtypeStruct((n, 1), jnp.float32),
        ],
    )(x, W1, hist)

    p1 = _make_agg(n, d_h, nblk, npad, pw)(u1, eip, zrowd)

    w_cat = jnp.concatenate([W_mu, W_ls], axis=1)
    u2 = pl.pallas_call(
        _s2_body,
        grid=(grid,),
        in_specs=[
            pl.BlockSpec((NC, R, d_h), lambda i: (0, i, 0)),
            pl.BlockSpec((R, d_h), lambda i: (i, 0)),
            pl.BlockSpec((R, 1), lambda i: (i, 0)),
            pl.BlockSpec((1, d_h), lambda i: (0, 0)),
            pl.BlockSpec((d_h, 2 * d_z), lambda i: (0, 0)),
        ],
        out_specs=pl.BlockSpec((R, 2 * d_z), lambda i: (i, 0)),
        out_shape=jax.ShapeDtypeStruct((n, 2 * d_z), jnp.float32),
    )(p1, u1, dinv, b1.reshape(1, -1), w_cat)

    p2 = _make_agg(n, 2 * d_z, nblk, npad, pw)(u2, eip, zrowd)

    z_mu, z_ls = pl.pallas_call(
        _s3_body,
        grid=(grid,),
        in_specs=[
            pl.BlockSpec((NC, R, 2 * d_z), lambda i: (0, i, 0)),
            pl.BlockSpec((R, 2 * d_z), lambda i: (i, 0)),
            pl.BlockSpec((R, 1), lambda i: (i, 0)),
            pl.BlockSpec((1, d_z), lambda i: (0, 0)),
            pl.BlockSpec((1, d_z), lambda i: (0, 0)),
        ],
        out_specs=[
            pl.BlockSpec((R, d_z), lambda i: (i, 0)),
            pl.BlockSpec((R, d_z), lambda i: (i, 0)),
        ],
        out_shape=[
            jax.ShapeDtypeStruct((n, d_z), jnp.float32),
            jax.ShapeDtypeStruct((n, d_z), jnp.float32),
        ],
    )(p2, u2, dinv, b_mu.reshape(1, -1), b_ls.reshape(1, -1))

    return (z_mu, z_ls)

# --- scband reference (transcript-rebuilt; emitter-appended) ---
"""Pipeline reference for scband-encoder-37117107372137 (READ-ONLY COPY).

The authoritative reference and input builder live on the scoring server;
editing this copy changes nothing except your own understanding.
"""

import jax, jax.numpy as jnp
import numpy as np

N = 10000
E = 320000
D_IN = 128
D_H = 128
D_Z = 64


def setup_inputs(seed: int = 0) -> dict:
    key = jax.random.key(seed)
    ks = jax.random.split(key, 8)
    x = jax.random.normal(ks[0], (N, D_IN), dtype=jnp.float32)
    edge_index = jax.random.randint(ks[1], (2, E), 0, N, dtype=jnp.int32)
    W1 = jax.random.normal(ks[2], (D_IN, D_H), dtype=jnp.float32) * (1.0 / np.sqrt(D_IN))
    b1 = jnp.zeros((D_H,), dtype=jnp.float32)
    W_mu = jax.random.normal(ks[3], (D_H, D_Z), dtype=jnp.float32) * (1.0 / np.sqrt(D_H))
    b_mu = jnp.zeros((D_Z,), dtype=jnp.float32)
    W_ls = jax.random.normal(ks[4], (D_H, D_Z), dtype=jnp.float32) * (1.0 / np.sqrt(D_H))
    b_ls = jnp.zeros((D_Z,), dtype=jnp.float32)
    return {"x": x, "edge_index": edge_index, "W1": W1, "b1": b1,
            "W_mu": W_mu, "b_mu": b_mu, "W_ls": W_ls, "b_ls": b_ls}


def _gcn_conv(x, W, b, src, dst, n):
    # GCNConv with self-loops already included in src/dst:
    # out = D^{-1/2} A_hat D^{-1/2} (X W) + b
    xw = x @ W
    deg = jax.ops.segment_sum(jnp.ones(src.shape[0], dtype=xw.dtype), dst, num_segments=n)
    deg_inv_sqrt = jnp.where(deg > 0, jax.lax.rsqrt(jnp.maximum(deg, 1e-12)), 0.0)
    norm = deg_inv_sqrt[src] * deg_inv_sqrt[dst]
    msg = xw[src] * norm[:, None]
    out = jax.ops.segment_sum(msg, dst, num_segments=n)
    return out + b


def reference(x, edge_index, W1, b1, W_mu, b_mu, W_ls, b_ls):
    n = x.shape[0]
    # y_edge_index is None -> combined_edge_index = edge_index
    loop = jnp.arange(n, dtype=edge_index.dtype)
    src = jnp.concatenate([edge_index[0], loop])
    dst = jnp.concatenate([edge_index[1], loop])
    h = jax.nn.relu(_gcn_conv(x, W1, b1, src, dst, n))
    z_mu = _gcn_conv(h, W_mu, b_mu, src, dst, n)
    z_logstd = _gcn_conv(h, W_ls, b_ls, src, dst, n)
    return (z_mu, z_logstd)

if __name__ == "__main__":
    import jax
    _d = setup_inputs()
    print(jax.jit(kernel)(*tuple(_d.values())))

</pallas_src>

<mosaic_0001>
#map = affine_map<(d0, d1) -> (0, 0)>
#map1 = affine_map<(d0, d1) -> (0, 0, 0)>
module attributes {stable_mosaic.version = 14 : i64} {
  func.func @agg(%arg0: i32, %arg1: i32, %arg2: memref<10000x128xf32, #tpu.memory_space<hbm>>, %arg3: memref<2x2560x128xi32, #tpu.memory_space<hbm>>, %arg4: memref<320x128xf32, #tpu.memory_space<hbm>>, %arg5: memref<2x10240x128xf32, #tpu.memory_space<hbm>>, %arg6: memref<2x40x128xi32, #tpu.memory_space<vmem>>, %arg7: memref<2x128x128xf32, #tpu.memory_space<vmem>>, %arg8: memref<10240x128xf32, #tpu.memory_space<vmem_shared>>, %arg9: memref<!tpu.dma_semaphore, #tpu.memory_space<semaphore_mem>>, %arg10: memref<!tpu.dma_semaphore, #tpu.memory_space<semaphore_mem>>, %arg11: memref<!tpu.dma_semaphore, #tpu.memory_space<semaphore_mem>>) attributes {dimension_semantics = [#tpu.dimension_semantics<core_parallel>, #tpu.dimension_semantics<subcore_parallel>], iteration_bounds = array<i64: 2, 16>, scalar_prefetch = 0 : i64, scratch_operands = 6 : i64, tpu.core_type = #tpu.core_type<sc_vector_subcore>, window_params = [{transform_indices = #map}, {transform_indices = #map1}, {transform_indices = #map}, {transform_indices = #map1}]} {
    %mul3A = arith.constant 2 : i32
    %mul3A_0 = arith.muli %arg1, %mul3A : i32
    %add3A = arith.addi %mul3A_0, %arg0 : i32
    %mul3A_1 = arith.constant 320 : i32
    %mul3A_2 = arith.muli %arg1, %mul3A_1 : i32
    "tpu.region"() ({
      %run_scoped3A = tpu.sem_alloc : memref<!tpu.dma_semaphore, #tpu.memory_space<semaphore_mem>>
      %dma_start3A = arith.constant 0 : i32
      %dma_start3A_9 = tpu.memref_slice %arg8[%mul3A_2, %dma_start3A] : memref<10240x128xf32, #tpu.memory_space<vmem_shared>> -> memref<320x128xf32, #tpu.memory_space<vmem_shared>>
      tpu.enqueue_dma source(%arg4 : memref<320x128xf32, #tpu.memory_space<hbm>>) target(%dma_start3A_9 : memref<320x128xf32, #tpu.memory_space<vmem_shared>>) target_semaphore(%run_scoped3A : memref<!tpu.dma_semaphore, #tpu.memory_space<semaphore_mem>>)
      %dma_wait3A = arith.constant 0 : i32
      %dma_wait3A_10 = tpu.memref_slice %arg8[%mul3A_2, %dma_wait3A] : memref<10240x128xf32, #tpu.memory_space<vmem_shared>> -> memref<320x128xf32, #tpu.memory_space<vmem_shared>>
      tpu.wait_dma2 semaphore(%run_scoped3A : memref<!tpu.dma_semaphore, #tpu.memory_space<semaphore_mem>>) src(%arg4 : memref<320x128xf32, #tpu.memory_space<hbm>>) dst(%dma_wait3A_10 : memref<320x128xf32, #tpu.memory_space<vmem_shared>>)
      tpu.yield
    }) : () -> ()
    %barrier3A = arith.constant 0 : index
    tpu.barrier barrier_id(%barrier3A)
    %scan3A = arith.constant 0 : i32
    %scan3A_3 = arith.constant 0 : i32
    %scan3A_4 = arith.constant 2 : i32
    %scan3A_5 = arith.addi %scan3A_3, %scan3A_4 : i32
    %scan3A_6 = arith.constant 1 : i32
    scf.for %scan3A_9 = %scan3A_3 to %scan3A_5 step %scan3A_6  : i32 {
      %mul3A_10 = arith.constant 80 : i32
      %mul3A_11 = arith.muli %add3A, %mul3A_10 : i32
      %mul3A_12 = arith.constant 40 : i32
      %mul3A_13 = arith.muli %scan3A_9, %mul3A_12 : i32
      %add3A_14 = arith.addi %mul3A_11, %mul3A_13 : i32
      "tpu.region"() ({
        %run_scoped3A = tpu.sem_alloc : memref<!tpu.dma_semaphore, #tpu.memory_space<semaphore_mem>>
        %dma_start3A_45 = arith.constant 0 : i32
        %dma_start3A_46 = arith.constant 0 : i32
        %dma_start3A_47 = tpu.memref_slice %arg3[%dma_start3A_45, %add3A_14, %dma_start3A_46] : memref<2x2560x128xi32, #tpu.memory_space<hbm>> -> memref<2x40x128xi32, #tpu.memory_space<hbm>>
        %dma_start3A_48 = arith.constant 0 : i32
        %dma_start3A_49 = arith.constant 0 : i32
        %dma_start3A_50 = tpu.memref_slice %arg3[%dma_start3A_48, %add3A_14, %dma_start3A_49] : memref<2x2560x128xi32, #tpu.memory_space<hbm>> -> memref<2x40x128xi32, #tpu.memory_space<hbm>>
        tpu.enqueue_dma source(%dma_start3A_50 : memref<2x40x128xi32, #tpu.memory_space<hbm>>) target(%arg6 : memref<2x40x128xi32, #tpu.memory_space<vmem>>) target_semaphore(%run_scoped3A : memref<!tpu.dma_semaphore, #tpu.memory_space<semaphore_mem>>)
        %dma_wait3A_51 = arith.constant 0 : i32
        %dma_wait3A_52 = arith.constant 0 : i32
        %dma_wait3A_53 = tpu.memref_slice %arg3[%dma_wait3A_51, %add3A_14, %dma_wait3A_52] : memref<2x2560x128xi32, #tpu.memory_space<hbm>> -> memref<2x40x128xi32, #tpu.memory_space<hbm>>
        %dma_wait3A_54 = arith.constant 0 : i32
        %dma_wait3A_55 = arith.constant 0 : i32
        %dma_wait3A_56 = tpu.memref_slice %arg3[%dma_wait3A_54, %add3A_14, %dma_wait3A_55] : memref<2x2560x128xi32, #tpu.memory_space<hbm>> -> memref<2x40x128xi32, #tpu.memory_space<hbm>>
        tpu.wait_dma2 semaphore(%run_scoped3A : memref<!tpu.dma_semaphore, #tpu.memory_space<semaphore_mem>>) src(%dma_wait3A_56 : memref<2x40x128xi32, #tpu.memory_space<hbm>>) dst(%arg6 : memref<2x40x128xi32, #tpu.memory_space<vmem>>)
        tpu.yield
      }) : () -> ()
      %dma_start3A = arith.constant 0 : i32
      %dma_start3A_15 = arith.constant 0 : i32
      %dma_start3A_16 = arith.constant 0 : i32
      %dma_start3A_17 = arith.constant 0 : i32
      %dma_start3A_18 = arith.constant 0 : i32
      %dma_start3A_19 = tpu.memref_slice %arg7[%dma_start3A_16, %dma_start3A_17, %dma_start3A_18] : memref<2x128x128xf32, #tpu.memory_space<vmem>> -> memref<1x128x128xf32, #tpu.memory_space<vmem>>
      %dma_start3A_20 = tpu.memref_squeeze %dma_start3A_19 : memref<1x128x128xf32, #tpu.memory_space<vmem>> -> memref<128x128xf32, #tpu.memory_space<vmem>>
      %dma_start3A_21 = arith.constant 0 : i32
      %dma_start3A_22 = tpu.memref_slice %arg6[%dma_start3A, %dma_start3A_15, %dma_start3A_21] : memref<2x40x128xi32, #tpu.memory_space<vmem>> -> memref<1x1x128xi32, #tpu.memory_space<vmem>>
      %dma_start3A_23 = tpu.memref_squeeze %dma_start3A_22 : memref<1x1x128xi32, #tpu.memory_space<vmem>> -> memref<128xi32, #tpu.memory_space<vmem>>
      %dma_start3A_24 = arith.constant 0 : i32
      %dma_start3A_25 = arith.constant 0 : i32
      %dma_start3A_26 = tpu.memref_slice %arg2[%dma_start3A_24, %dma_start3A_25] : memref<10000x128xf32, #tpu.memory_space<hbm>> -> memref<10000x128xf32, #tpu.memory_space<hbm>>
      tpu.enqueue_indirect_dma source(%dma_start3A_26 : memref<10000x128xf32, #tpu.memory_space<hbm>>) target(%dma_start3A_20 : memref<128x128xf32, #tpu.memory_space<vmem>>) offsets(%dma_start3A_23 : memref<128xi32, #tpu.memory_space<vmem>>) semaphore(%arg9 : memref<!tpu.dma_semaphore, #tpu.memory_space<semaphore_mem>>)
      %scan3A_27 = arith.constant 0 : i32
      %scan3A_28 = arith.constant 0 : i32
      %scan3A_29 = arith.constant 20 : i32
      %scan3A_30 = arith.addi %scan3A_28, %scan3A_29 : i32
      %scan3A_31 = arith.constant 1 : i32
      scf.for %scan3A_45 = %scan3A_28 to %scan3A_30 step %scan3A_31  : i32 {
        %mul3A_46 = arith.constant 2 : i32
        %mul3A_47 = arith.muli %mul3A_46, %scan3A_45 : i32
        %add3A_48 = arith.constant 1 : i32
        %add3A_49 = arith.addi %mul3A_47, %add3A_48 : i32
        %ge3A = arith.constant 1 : i32
        %ge3A_50 = arith.cmpi sge, %scan3A_45, %ge3A : i32
        %convert_element_type3A = arith.extui %ge3A_50 : i1 to i32
        %cond3A = arith.constant 0 : i32
        %cond3A_51 = arith.cmpi ne, %convert_element_type3A, %cond3A : i32
        scf.if %cond3A_51 {
          %dma_wait3A_133 = arith.constant 1 : i32
          %dma_wait3A_134 = arith.constant 1 : i32
          %dma_wait3A_135 = arith.constant 0 : i32
          %dma_wait3A_136 = arith.constant 0 : i32
          %dma_wait3A_137 = arith.constant 0 : i32
          %dma_wait3A_138 = tpu.memref_slice %arg7[%dma_wait3A_133, %dma_wait3A_136, %dma_wait3A_137] : memref<2x128x128xf32, #tpu.memory_space<vmem>> -> memref<1x128x128xf32, #tpu.memory_space<vmem>>
          %dma_wait3A_139 = tpu.memref_squeeze %dma_wait3A_138 : memref<1x128x128xf32, #tpu.memory_space<vmem>> -> memref<128x128xf32, #tpu.memory_space<vmem>>
          %dma_wait3A_140 = arith.constant 0 : i32
          %dma_wait3A_141 = tpu.memref_slice %arg6[%dma_wait3A_134, %dma_wait3A_135, %dma_wait3A_140] : memref<2x40x128xi32, #tpu.memory_space<vmem>> -> memref<1x1x128xi32, #tpu.memory_space<vmem>>
          %dma_wait3A_142 = tpu.memref_squeeze %dma_wait3A_141 : memref<1x1x128xi32, #tpu.memory_space<vmem>> -> memref<128xi32, #tpu.memory_space<vmem>>
          %dma_wait3A_143 = arith.constant 0 : i32
          %dma_wait3A_144 = arith.constant 0 : i32
          %dma_wait3A_145 = tpu.memref_slice %arg8[%dma_wait3A_143, %dma_wait3A_144] : memref<10240x128xf32, #tpu.memory_space<vmem_shared>> -> memref<10240x128xf32, #tpu.memory_space<vmem_shared>>
          tpu.wait_indirect_dma semaphore(%arg11 : memref<!tpu.dma_semaphore, #tpu.memory_space<semaphore_mem>>) src(%dma_wait3A_139 : memref<128x128xf32, #tpu.memory_space<vmem>>) dst(%dma_wait3A_145 : memref<10240x128xf32, #tpu.memory_space<vmem_shared>>)
        } else {
        }
        %dma_start3A_52 = arith.constant 0 : i32
        %dma_start3A_53 = arith.constant 1 : i32
        %dma_start3A_54 = arith.constant 0 : i32
        %dma_start3A_55 = arith.constant 0 : i32
        %dma_start3A_56 = tpu.memref_slice %arg7[%dma_start3A_53, %dma_start3A_54, %dma_start3A_55] : memref<2x128x128xf32, #tpu.memory_space<vmem>> -> memref<1x128x128xf32, #tpu.memory_space<vmem>>
        %dma_start3A_57 = tpu.memref_squeeze %dma_start3A_56 : memref<1x128x128xf32, #tpu.memory_space<vmem>> -> memref<128x128xf32, #tpu.memory_space<vmem>>
        %dma_start3A_58 = arith.constant 0 : i32
        %dma_start3A_59 = tpu.memref_slice %arg6[%dma_start3A_52, %add3A_49, %dma_start3A_58] : memref<2x40x128xi32, #tpu.memory_space<vmem>> -> memref<1x1x128xi32, #tpu.memory_space<vmem>>
        %dma_start3A_60 = tpu.memref_squeeze %dma_start3A_59 : memref<1x1x128xi32, #tpu.memory_space<vmem>> -> memref<128xi32, #tpu.memory_space<vmem>>
        %dma_start3A_61 = arith.constant 0 : i32
        %dma_start3A_62 = arith.constant 0 : i32
        %dma_start3A_63 = tpu.memref_slice %arg2[%dma_start3A_61, %dma_start3A_62] : memref<10000x128xf32, #tpu.memory_space<hbm>> -> memref<10000x128xf32, #tpu.memory_space<hbm>>
        tpu.enqueue_indirect_dma source(%dma_start3A_63 : memref<10000x128xf32, #tpu.memory_space<hbm>>) target(%dma_start3A_57 : memref<128x128xf32, #tpu.memory_space<vmem>>) offsets(%dma_start3A_60 : memref<128xi32, #tpu.memory_space<vmem>>) semaphore(%arg10 : memref<!tpu.dma_semaphore, #tpu.memory_space<semaphore_mem>>)
        %dma_wait3A_64 = arith.constant 0 : i32
        %dma_wait3A_65 = arith.constant 0 : i32
        %dma_wait3A_66 = arith.constant 0 : i32
        %dma_wait3A_67 = arith.constant 0 : i32
        %dma_wait3A_68 = arith.constant 0 : i32
        %dma_wait3A_69 = tpu.memref_slice %arg7[%dma_wait3A_66, %dma_wait3A_67, %dma_wait3A_68] : memref<2x128x128xf32, #tpu.memory_space<vmem>> -> memref<1x128x128xf32, #tpu.memory_space<vmem>>
        %dma_wait3A_70 = tpu.memref_squeeze %dma_wait3A_69 : memref<1x128x128xf32, #tpu.memory_space<vmem>> -> memref<128x128xf32, #tpu.memory_space<vmem>>
        %dma_wait3A_71 = arith.constant 0 : i32
        %dma_wait3A_72 = tpu.memref_slice %arg6[%dma_wait3A_64, %dma_wait3A_65, %dma_wait3A_71] : memref<2x40x128xi32, #tpu.memory_space<vmem>> -> memref<1x1x128xi32, #tpu.memory_space<vmem>>
        %dma_wait3A_73 = tpu.memref_squeeze %dma_wait3A_72 : memref<1x1x128xi32, #tpu.memory_space<vmem>> -> memref<128xi32, #tpu.memory_space<vmem>>
        %dma_wait3A_74 = arith.constant 0 : i32
        %dma_wait3A_75 = arith.constant 0 : i32
        %dma_wait3A_76 = tpu.memref_slice %arg2[%dma_wait3A_74, %dma_wait3A_75] : memref<10000x128xf32, #tpu.memory_space<hbm>> -> memref<10000x128xf32, #tpu.memory_space<hbm>>
        tpu.wait_indirect_dma semaphore(%arg9 : memref<!tpu.dma_semaphore, #tpu.memory_space<semaphore_mem>>) src(%dma_wait3A_76 : memref<10000x128xf32, #tpu.memory_space<hbm>>) dst(%dma_wait3A_70 : memref<128x128xf32, #tpu.memory_space<vmem>>)
        %dma_start3A_77 = arith.constant 0 : i32
        %dma_start3A_78 = arith.constant 1 : i32
        %dma_start3A_79 = arith.constant 0 : i32
        %dma_start3A_80 = arith.constant 0 : i32
        %dma_start3A_81 = tpu.memref_slice %arg7[%dma_start3A_77, %dma_start3A_79, %dma_start3A_80] : memref<2x128x128xf32, #tpu.memory_space<vmem>> -> memref<1x128x128xf32, #tpu.memory_space<vmem>>
        %dma_start3A_82 = tpu.memref_squeeze %dma_start3A_81 : memref<1x128x128xf32, #tpu.memory_space<vmem>> -> memref<128x128xf32, #tpu.memory_space<vmem>>
        %dma_start3A_83 = arith.constant 0 : i32
        %dma_start3A_84 = tpu.memref_slice %arg6[%dma_start3A_78, %mul3A_47, %dma_start3A_83] : memref<2x40x128xi32, #tpu.memory_space<vmem>> -> memref<1x1x128xi32, #tpu.memory_space<vmem>>
        %dma_start3A_85 = tpu.memref_squeeze %dma_start3A_84 : memref<1x1x128xi32, #tpu.memory_space<vmem>> -> memref<128xi32, #tpu.memory_space<vmem>>
        %dma_start3A_86 = arith.constant 0 : i32
        %dma_start3A_87 = arith.constant 0 : i32
        %dma_start3A_88 = tpu.memref_slice %arg8[%dma_start3A_86, %dma_start3A_87] : memref<10240x128xf32, #tpu.memory_space<vmem_shared>> -> memref<10240x128xf32, #tpu.memory_space<vmem_shared>>
        tpu.enqueue_indirect_dma source(%dma_start3A_82 : memref<128x128xf32, #tpu.memory_space<vmem>>) target(%dma_start3A_88 : memref<10240x128xf32, #tpu.memory_space<vmem_shared>>) offsets(%dma_start3A_85 : memref<128xi32, #tpu.memory_space<vmem>>) semaphore(%arg11 : memref<!tpu.dma_semaphore, #tpu.memory_space<semaphore_mem>>) {add = true}
        %dma_wait3A_89 = arith.constant 0 : i32
        %dma_wait3A_90 = arith.constant 0 : i32
        %dma_wait3A_91 = arith.constant 1 : i32
        %dma_wait3A_92 = arith.constant 0 : i32
        %dma_wait3A_93 = arith.constant 0 : i32
        %dma_wait3A_94 = tpu.memref_slice %arg7[%dma_wait3A_91, %dma_wait3A_92, %dma_wait3A_93] : memref<2x128x128xf32, #tpu.memory_space<vmem>> -> memref<1x128x128xf32, #tpu.memory_space<vmem>>
        %dma_wait3A_95 = tpu.memref_squeeze %dma_wait3A_94 : memref<1x128x128xf32, #tpu.memory_space<vmem>> -> memref<128x128xf32, #tpu.memory_space<vmem>>
        %dma_wait3A_96 = arith.constant 0 : i32
        %dma_wait3A_97 = tpu.memref_slice %arg6[%dma_wait3A_89, %dma_wait3A_90, %dma_wait3A_96] : memref<2x40x128xi32, #tpu.memory_space<vmem>> -> memref<1x1x128xi32, #tpu.memory_space<vmem>>
        %dma_wait3A_98 = tpu.memref_squeeze %dma_wait3A_97 : memref<1x1x128xi32, #tpu.memory_space<vmem>> -> memref<128xi32, #tpu.memory_space<vmem>>
        %dma_wait3A_99 = arith.constant 0 : i32
        %dma_wait3A_100 = arith.constant 0 : i32
        %dma_wait3A_101 = tpu.memref_slice %arg2[%dma_wait3A_99, %dma_wait3A_100] : memref<10000x128xf32, #tpu.memory_space<hbm>> -> memref<10000x128xf32, #tpu.memory_space<hbm>>
        tpu.wait_indirect_dma semaphore(%arg10 : memref<!tpu.dma_semaphore, #tpu.memory_space<semaphore_mem>>) src(%dma_wait3A_101 : memref<10000x128xf32, #tpu.memory_space<hbm>>) dst(%dma_wait3A_95 : memref<128x128xf32, #tpu.memory_space<vmem>>)
        %dma_wait3A_102 = arith.constant 0 : i32
        %dma_wait3A_103 = arith.constant 1 : i32
        %dma_wait3A_104 = arith.constant 0 : i32
        %dma_wait3A_105 = arith.constant 0 : i32
        %dma_wait3A_106 = arith.constant 0 : i32
        %dma_wait3A_107 = tpu.memref_slice %arg7[%dma_wait3A_102, %dma_wait3A_105, %dma_wait3A_106] : memref<2x128x128xf32, #tpu.memory_space<vmem>> -> memref<1x128x128xf32, #tpu.memory_space<vmem>>
        %dma_wait3A_108 = tpu.memref_squeeze %dma_wait3A_107 : memref<1x128x128xf32, #tpu.memory_space<vmem>> -> memref<128x128xf32, #tpu.memory_space<vmem>>
        %dma_wait3A_109 = arith.constant 0 : i32
        %dma_wait3A_110 = tpu.memref_slice %arg6[%dma_wait3A_103, %dma_wait3A_104, %dma_wait3A_109] : memref<2x40x128xi32, #tpu.memory_space<vmem>> -> memref<1x1x128xi32, #tpu.memory_space<vmem>>
        %dma_wait3A_111 = tpu.memref_squeeze %dma_wait3A_110 : memref<1x1x128xi32, #tpu.memory_space<vmem>> -> memref<128xi32, #tpu.memory_space<vmem>>
        %dma_wait3A_112 = arith.constant 0 : i32
        %dma_wait3A_113 = arith.constant 0 : i32
        %dma_wait3A_114 = tpu.memref_slice %arg8[%dma_wait3A_112, %dma_wait3A_113] : memref<10240x128xf32, #tpu.memory_space<vmem_shared>> -> memref<10240x128xf32, #tpu.memory_space<vmem_shared>>
        tpu.wait_indirect_dma semaphore(%arg11 : memref<!tpu.dma_semaphore, #tpu.memory_space<semaphore_mem>>) src(%dma_wait3A_108 : memref<128x128xf32, #tpu.memory_space<vmem>>) dst(%dma_wait3A_114 : memref<10240x128xf32, #tpu.memory_space<vmem_shared>>)
        %add3A_115 = arith.constant 1 : i32
        %add3A_116 = arith.addi %add3A_49, %add3A_115 : i32
        %lt3A = arith.constant 40 : i32
        %lt3A_117 = arith.cmpi slt, %add3A_116, %lt3A : i32
        %convert_element_type3A_118 = arith.extui %lt3A_117 : i1 to i32
        %cond3A_119 = arith.constant 0 : i32
        %cond3A_120 = arith.cmpi ne, %convert_element_type3A_118, %cond3A_119 : i32
        scf.if %cond3A_120 {
          %add3A_133 = arith.constant 1 : i32
          %add3A_134 = arith.addi %add3A_49, %add3A_133 : i32
          %dma_start3A_135 = arith.constant 0 : i32
          %dma_start3A_136 = arith.constant 0 : i32
          %dma_start3A_137 = arith.constant 0 : i32
          %dma_start3A_138 = arith.constant 0 : i32
          %dma_start3A_139 = tpu.memref_slice %arg7[%dma_start3A_136, %dma_start3A_137, %dma_start3A_138] : memref<2x128x128xf32, #tpu.memory_space<vmem>> -> memref<1x128x128xf32, #tpu.memory_space<vmem>>
          %dma_start3A_140 = tpu.memref_squeeze %dma_start3A_139 : memref<1x128x128xf32, #tpu.memory_space<vmem>> -> memref<128x128xf32, #tpu.memory_space<vmem>>
          %dma_start3A_141 = arith.constant 0 : i32
          %dma_start3A_142 = tpu.memref_slice %arg6[%dma_start3A_135, %add3A_134, %dma_start3A_141] : memref<2x40x128xi32, #tpu.memory_space<vmem>> -> memref<1x1x128xi32, #tpu.memory_space<vmem>>
          %dma_start3A_143 = tpu.memref_squeeze %dma_start3A_142 : memref<1x1x128xi32, #tpu.memory_space<vmem>> -> memref<128xi32, #tpu.memory_space<vmem>>
          %dma_start3A_144 = arith.constant 0 : i32
          %dma_start3A_145 = arith.constant 0 : i32
          %dma_start3A_146 = tpu.memref_slice %arg2[%dma_start3A_144, %dma_start3A_145] : memref<10000x128xf32, #tpu.memory_space<hbm>> -> memref<10000x128xf32, #tpu.memory_space<hbm>>
          tpu.enqueue_indirect_dma source(%dma_start3A_146 : memref<10000x128xf32, #tpu.memory_space<hbm>>) target(%dma_start3A_140 : memref<128x128xf32, #tpu.memory_space<vmem>>) offsets(%dma_start3A_143 : memref<128xi32, #tpu.memory_space<vmem>>) semaphore(%arg9 : memref<!tpu.dma_semaphore, #tpu.memory_space<semaphore_mem>>)
        } else {
        }
        %dma_start3A_121 = arith.constant 1 : i32
        %dma_start3A_122 = arith.constant 1 : i32
        %dma_start3A_123 = arith.constant 0 : i32
        %dma_start3A_124 = arith.constant 0 : i32
        %dma_start3A_125 = tpu.memref_slice %arg7[%dma_start3A_121, %dma_start3A_123, %dma_start3A_124] : memref<2x128x128xf32, #tpu.memory_space<vmem>> -> memref<1x128x128xf32, #tpu.memory_space<vmem>>
        %dma_start3A_126 = tpu.memref_squeeze %dma_start3A_125 : memref<1x128x128xf32, #tpu.memory_space<vmem>> -> memref<128x128xf32, #tpu.memory_space<vmem>>
        %dma_start3A_127 = arith.constant 0 : i32
        %dma_start3A_128 = tpu.memref_slice %arg6[%dma_start3A_122, %add3A_49, %dma_start3A_127] : memref<2x40x128xi32, #tpu.memory_space<vmem>> -> memref<1x1x128xi32, #tpu.memory_space<vmem>>
        %dma_start3A_129 = tpu.memref_squeeze %dma_start3A_128 : memref<1x1x128xi32, #tpu.memory_space<vmem>> -> memref<128xi32, #tpu.memory_space<vmem>>
        %dma_start3A_130 = arith.constant 0 : i32
        %dma_start3A_131 = arith.constant 0 : i32
        %dma_start3A_132 = tpu.memref_slice %arg8[%dma_start3A_130, %dma_start3A_131] : memref<10240x128xf32, #tpu.memory_space<vmem_shared>> -> memref<10240x128xf32, #tpu.memory_space<vmem_shared>>
        tpu.enqueue_indirect_dma source(%dma_start3A_126 : memref<128x128xf32, #tpu.memory_space<vmem>>) target(%dma_start3A_132 : memref<10240x128xf32, #tpu.memory_space<vmem_shared>>) offsets(%dma_start3A_129 : memref<128xi32, #tpu.memory_space<vmem>>) semaphore(%arg11 : memref<!tpu.dma_semaphore, #tpu.memory_space<semaphore_mem>>) {add = true}
      }
      %scan3A_32 = arith.constant 20 : i32
      %dma_wait3A = arith.constant 1 : i32
      %dma_wait3A_33 = arith.constant 1 : i32
      %dma_wait3A_34 = arith.constant 0 : i32
      %dma_wait3A_35 = arith.constant 0 : i32
      %dma_wait3A_36 = arith.constant 0 : i32
      %dma_wait3A_37 = tpu.memref_slice %arg7[%dma_wait3A, %dma_wait3A_35, %dma_wait3A_36] : memref<2x128x128xf32, #tpu.memory_space<vmem>> -> memref<1x128x128xf32, #tpu.memory_space<vmem>>
      %dma_wait3A_38 = tpu.memref_squeeze %dma_wait3A_37 : memref<1x128x128xf32, #tpu.memory_space<vmem>> -> memref<128x128xf32, #tpu.memory_space<vmem>>
      %dma_wait3A_39 = arith.constant 0 : i32
      %dma_wait3A_40 = tpu.memref_slice %arg6[%dma_wait3A_33, %dma_wait3A_34, %dma_wait3A_39] : memref<2x40x128xi32, #tpu.memory_space<vmem>> -> memref<1x1x128xi32, #tpu.memory_space<vmem>>
      %dma_wait3A_41 = tpu.memref_squeeze %dma_wait3A_40 : memref<1x1x128xi32, #tpu.memory_space<vmem>> -> memref<128xi32, #tpu.memory_space<vmem>>
      %dma_wait3A_42 = arith.constant 0 : i32
      %dma_wait3A_43 = arith.constant 0 : i32
      %dma_wait3A_44 = tpu.memref_slice %arg8[%dma_wait3A_42, %dma_wait3A_43] : memref<10240x128xf32, #tpu.memory_space<vmem_shared>> -> memref<10240x128xf32, #tpu.memory_space<vmem_shared>>
      tpu.wait_indirect_dma semaphore(%arg11 : memref<!tpu.dma_semaphore, #tpu.memory_space<semaphore_mem>>) src(%dma_wait3A_38 : memref<128x128xf32, #tpu.memory_space<vmem>>) dst(%dma_wait3A_44 : memref<10240x128xf32, #tpu.memory_space<vmem_shared>>)
    }
    %scan3A_7 = arith.constant 2 : i32
    %barrier3A_8 = arith.constant 0 : index
    tpu.barrier barrier_id(%barrier3A_8)
    "tpu.region"() ({
      %run_scoped3A = tpu.sem_alloc : memref<!tpu.dma_semaphore, #tpu.memory_space<semaphore_mem>>
      %dma_start3A = arith.constant 0 : i32
      %dma_start3A_9 = tpu.memref_slice %arg5[%arg0, %mul3A_2, %dma_start3A] : memref<2x10240x128xf32, #tpu.memory_space<hbm>> -> memref<1x320x128xf32, #tpu.memory_space<hbm>>
      %dma_start3A_10 = tpu.memref_squeeze %dma_start3A_9 : memref<1x320x128xf32, #tpu.memory_space<hbm>> -> memref<320x128xf32, #tpu.memory_space<hbm>>
      %dma_start3A_11 = arith.constant 0 : i32
      %dma_start3A_12 = tpu.memref_slice %arg8[%mul3A_2, %dma_start3A_11] : memref<10240x128xf32, #tpu.memory_space<vmem_shared>> -> memref<320x128xf32, #tpu.memory_space<vmem_shared>>
      tpu.enqueue_dma source(%dma_start3A_12 : memref<320x128xf32, #tpu.memory_space<vmem_shared>>) target(%dma_start3A_10 : memref<320x128xf32, #tpu.memory_space<hbm>>) target_semaphore(%run_scoped3A : memref<!tpu.dma_semaphore, #tpu.memory_space<semaphore_mem>>)
      %dma_wait3A = arith.constant 0 : i32
      %dma_wait3A_13 = tpu.memref_slice %arg5[%arg0, %mul3A_2, %dma_wait3A] : memref<2x10240x128xf32, #tpu.memory_space<hbm>> -> memref<1x320x128xf32, #tpu.memory_space<hbm>>
      %dma_wait3A_14 = tpu.memref_squeeze %dma_wait3A_13 : memref<1x320x128xf32, #tpu.memory_space<hbm>> -> memref<320x128xf32, #tpu.memory_space<hbm>>
      %dma_wait3A_15 = arith.constant 0 : i32
      %dma_wait3A_16 = tpu.memref_slice %arg8[%mul3A_2, %dma_wait3A_15] : memref<10240x128xf32, #tpu.memory_space<vmem_shared>> -> memref<320x128xf32, #tpu.memory_space<vmem_shared>>
      tpu.wait_dma2 semaphore(%run_scoped3A : memref<!tpu.dma_semaphore, #tpu.memory_space<semaphore_mem>>) src(%dma_wait3A_16 : memref<320x128xf32, #tpu.memory_space<vmem_shared>>) dst(%dma_wait3A_14 : memref<320x128xf32, #tpu.memory_space<hbm>>)
      tpu.yield
    }) : () -> ()
    return
  }
}

#map = affine_map<(d0, d1) -> (0, 0, 0)>
#map1 = affine_map<(d0, d1) -> (0, 0)>
module attributes {stable_mosaic.version = 14 : i64} {
  func.func @hist(%arg0: i32, %arg1: i32, %arg2: memref<2x2560x128xi32, #tpu.memory_space<hbm>>, %arg3: memref<128x8xf32, #tpu.memory_space<hbm>>, %arg4: memref<320x8xf32, #tpu.memory_space<hbm>>, %arg5: memref<2x10240x8xf32, #tpu.memory_space<hbm>>, %arg6: memref<80x128xi32, #tpu.memory_space<vmem>>, %arg7: memref<128x8xf32, #tpu.memory_space<vmem>>, %arg8: memref<10240x8xf32, #tpu.memory_space<vmem_shared>>, %arg9: memref<!tpu.dma_semaphore, #tpu.memory_space<semaphore_mem>>) attributes {dimension_semantics = [#tpu.dimension_semantics<core_parallel>, #tpu.dimension_semantics<subcore_parallel>], iteration_bounds = array<i64: 2, 16>, scalar_prefetch = 0 : i64, scratch_operands = 4 : i64, tpu.core_type = #tpu.core_type<sc_vector_subcore>, window_params = [{transform_indices = #map}, {transform_indices = #map1}, {transform_indices = #map1}, {transform_indices = #map}]} {
    %mul3A = arith.constant 2 : i32
    %mul3A_0 = arith.muli %arg1, %mul3A : i32
    %add3A = arith.addi %mul3A_0, %arg0 : i32
    %mul3A_1 = arith.constant 320 : i32
    %mul3A_2 = arith.muli %arg1, %mul3A_1 : i32
    "tpu.region"() ({
      %run_scoped3A_11 = tpu.sem_alloc : memref<!tpu.dma_semaphore, #tpu.memory_space<semaphore_mem>>
      %dma_start3A = arith.constant 0 : i32
      %dma_start3A_12 = tpu.memref_slice %arg8[%mul3A_2, %dma_start3A] : memref<10240x8xf32, #tpu.memory_space<vmem_shared>> -> memref<320x8xf32, #tpu.memory_space<vmem_shared>>
      tpu.enqueue_dma source(%arg4 : memref<320x8xf32, #tpu.memory_space<hbm>>) target(%dma_start3A_12 : memref<320x8xf32, #tpu.memory_space<vmem_shared>>) target_semaphore(%run_scoped3A_11 : memref<!tpu.dma_semaphore, #tpu.memory_space<semaphore_mem>>)
      %dma_wait3A = arith.constant 0 : i32
      %dma_wait3A_13 = tpu.memref_slice %arg8[%mul3A_2, %dma_wait3A] : memref<10240x8xf32, #tpu.memory_space<vmem_shared>> -> memref<320x8xf32, #tpu.memory_space<vmem_shared>>
      tpu.wait_dma2 semaphore(%run_scoped3A_11 : memref<!tpu.dma_semaphore, #tpu.memory_space<semaphore_mem>>) src(%arg4 : memref<320x8xf32, #tpu.memory_space<hbm>>) dst(%dma_wait3A_13 : memref<320x8xf32, #tpu.memory_space<vmem_shared>>)
      tpu.yield
    }) : () -> ()
    "tpu.region"() ({
      %run_scoped3A_11 = tpu.sem_alloc : memref<!tpu.dma_semaphore, #tpu.memory_space<semaphore_mem>>
      tpu.enqueue_dma source(%arg3 : memref<128x8xf32, #tpu.memory_space<hbm>>) target(%arg7 : memref<128x8xf32, #tpu.memory_space<vmem>>) target_semaphore(%run_scoped3A_11 : memref<!tpu.dma_semaphore, #tpu.memory_space<semaphore_mem>>)
      tpu.wait_dma2 semaphore(%run_scoped3A_11 : memref<!tpu.dma_semaphore, #tpu.memory_space<semaphore_mem>>) src(%arg3 : memref<128x8xf32, #tpu.memory_space<hbm>>) dst(%arg7 : memref<128x8xf32, #tpu.memory_space<vmem>>)
      tpu.yield
    }) : () -> ()
    %mul3A_3 = arith.constant 80 : i32
    %mul3A_4 = arith.muli %add3A, %mul3A_3 : i32
    %run_scoped3A = arith.constant 1 : i32
    "tpu.region"() ({
      %run_scoped3A_11 = tpu.sem_alloc : memref<!tpu.dma_semaphore, #tpu.memory_space<semaphore_mem>>
      %dma_start3A = arith.constant 0 : i32
      %dma_start3A_12 = tpu.memref_slice %arg2[%run_scoped3A, %mul3A_4, %dma_start3A] : memref<2x2560x128xi32, #tpu.memory_space<hbm>> -> memref<1x80x128xi32, #tpu.memory_space<hbm>>
      %dma_start3A_13 = tpu.memref_squeeze %dma_start3A_12 : memref<1x80x128xi32, #tpu.memory_space<hbm>> -> memref<80x128xi32, #tpu.memory_space<hbm>>
      %dma_start3A_14 = arith.constant 0 : i32
      %dma_start3A_15 = tpu.memref_slice %arg2[%run_scoped3A, %mul3A_4, %dma_start3A_14] : memref<2x2560x128xi32, #tpu.memory_space<hbm>> -> memref<1x80x128xi32, #tpu.memory_space<hbm>>
      %dma_start3A_16 = tpu.memref_squeeze %dma_start3A_15 : memref<1x80x128xi32, #tpu.memory_space<hbm>> -> memref<80x128xi32, #tpu.memory_space<hbm>>
      tpu.enqueue_dma source(%dma_start3A_16 : memref<80x128xi32, #tpu.memory_space<hbm>>) target(%arg6 : memref<80x128xi32, #tpu.memory_space<vmem>>) target_semaphore(%run_scoped3A_11 : memref<!tpu.dma_semaphore, #tpu.memory_space<semaphore_mem>>)
      %dma_wait3A = arith.constant 0 : i32
      %dma_wait3A_17 = tpu.memref_slice %arg2[%run_scoped3A, %mul3A_4, %dma_wait3A] : memref<2x2560x128xi32, #tpu.memory_space<hbm>> -> memref<1x80x128xi32, #tpu.memory_space<hbm>>
      %dma_wait3A_18 = tpu.memref_squeeze %dma_wait3A_17 : memref<1x80x128xi32, #tpu.memory_space<hbm>> -> memref<80x128xi32, #tpu.memory_space<hbm>>
      %dma_wait3A_19 = arith.constant 0 : i32
      %dma_wait3A_20 = tpu.memref_slice %arg2[%run_scoped3A, %mul3A_4, %dma_wait3A_19] : memref<2x2560x128xi32, #tpu.memory_space<hbm>> -> memref<1x80x128xi32, #tpu.memory_space<hbm>>
      %dma_wait3A_21 = tpu.memref_squeeze %dma_wait3A_20 : memref<1x80x128xi32, #tpu.memory_space<hbm>> -> memref<80x128xi32, #tpu.memory_space<hbm>>
      tpu.wait_dma2 semaphore(%run_scoped3A_11 : memref<!tpu.dma_semaphore, #tpu.memory_space<semaphore_mem>>) src(%dma_wait3A_21 : memref<80x128xi32, #tpu.memory_space<hbm>>) dst(%arg6 : memref<80x128xi32, #tpu.memory_space<vmem>>)
      tpu.yield
    }) : () -> ()
    %barrier3A = arith.constant 0 : index
    tpu.barrier barrier_id(%barrier3A)
    %scan3A = arith.constant 0 : i32
    %scan3A_5 = arith.constant 0 : i32
    %scan3A_6 = arith.constant 80 : i32
    %scan3A_7 = arith.addi %scan3A_5, %scan3A_6 : i32
    %scan3A_8 = arith.constant 1 : i32
    scf.for %scan3A_11 = %scan3A_5 to %scan3A_7 step %scan3A_8  : i32 {
      "tpu.region"() ({
        %run_scoped3A_12 = tpu.sem_alloc : memref<!tpu.dma_semaphore, #tpu.memory_space<semaphore_mem>>
        %dma_start3A = arith.constant 0 : i32
        %dma_start3A_13 = tpu.memref_slice %arg6[%scan3A_11, %dma_start3A] : memref<80x128xi32, #tpu.memory_space<vmem>> -> memref<1x128xi32, #tpu.memory_space<vmem>>
        %dma_start3A_14 = tpu.memref_squeeze %dma_start3A_13 : memref<1x128xi32, #tpu.memory_space<vmem>> -> memref<128xi32, #tpu.memory_space<vmem>>
        %dma_start3A_15 = arith.constant 0 : i32
        %dma_start3A_16 = arith.constant 0 : i32
        %dma_start3A_17 = tpu.memref_slice %arg8[%dma_start3A_15, %dma_start3A_16] : memref<10240x8xf32, #tpu.memory_space<vmem_shared>> -> memref<10240x8xf32, #tpu.memory_space<vmem_shared>>
        tpu.enqueue_indirect_dma source(%arg7 : memref<128x8xf32, #tpu.memory_space<vmem>>) target(%dma_start3A_17 : memref<10240x8xf32, #tpu.memory_space<vmem_shared>>) offsets(%dma_start3A_14 : memref<128xi32, #tpu.memory_space<vmem>>) semaphore(%run_scoped3A_12 : memref<!tpu.dma_semaphore, #tpu.memory_space<semaphore_mem>>) {add = true}
        %dma_wait3A = arith.constant 0 : i32
        %dma_wait3A_18 = tpu.memref_slice %arg6[%scan3A_11, %dma_wait3A] : memref<80x128xi32, #tpu.memory_space<vmem>> -> memref<1x128xi32, #tpu.memory_space<vmem>>
        %dma_wait3A_19 = tpu.memref_squeeze %dma_wait3A_18 : memref<1x128xi32, #tpu.memory_space<vmem>> -> memref<128xi32, #tpu.memory_space<vmem>>
        %dma_wait3A_20 = arith.constant 0 : i32
        %dma_wait3A_21 = arith.constant 0 : i32
        %dma_wait3A_22 = tpu.memref_slice %arg8[%dma_wait3A_20, %dma_wait3A_21] : memref<10240x8xf32, #tpu.memory_space<vmem_shared>> -> memref<10240x8xf32, #tpu.memory_space<vmem_shared>>
        tpu.wait_indirect_dma semaphore(%run_scoped3A_12 : memref<!tpu.dma_semaphore, #tpu.memory_space<semaphore_mem>>) src(%arg7 : memref<128x8xf32, #tpu.memory_space<vmem>>) dst(%dma_wait3A_22 : memref<10240x8xf32, #tpu.memory_space<vmem_shared>>)
        tpu.yield
      }) : () -> ()
    }
    %scan3A_9 = arith.constant 80 : i32
    %barrier3A_10 = arith.constant 0 : index
    tpu.barrier barrier_id(%barrier3A_10)
    "tpu.region"() ({
      %run_scoped3A_11 = tpu.sem_alloc : memref<!tpu.dma_semaphore, #tpu.memory_space<semaphore_mem>>
      %dma_start3A = arith.constant 0 : i32
      %dma_start3A_12 = tpu.memref_slice %arg5[%arg0, %mul3A_2, %dma_start3A] : memref<2x10240x8xf32, #tpu.memory_space<hbm>> -> memref<1x320x8xf32, #tpu.memory_space<hbm>>
      %dma_start3A_13 = tpu.memref_squeeze %dma_start3A_12 : memref<1x320x8xf32, #tpu.memory_space<hbm>> -> memref<320x8xf32, #tpu.memory_space<hbm>>
      %dma_start3A_14 = arith.constant 0 : i32
      %dma_start3A_15 = tpu.memref_slice %arg8[%mul3A_2, %dma_start3A_14] : memref<10240x8xf32, #tpu.memory_space<vmem_shared>> -> memref<320x8xf32, #tpu.memory_space<vmem_shared>>
      tpu.enqueue_dma source(%dma_start3A_15 : memref<320x8xf32, #tpu.memory_space<vmem_shared>>) target(%dma_start3A_13 : memref<320x8xf32, #tpu.memory_space<hbm>>) target_semaphore(%run_scoped3A_11 : memref<!tpu.dma_semaphore, #tpu.memory_space<semaphore_mem>>)
      %dma_wait3A = arith.constant 0 : i32
      %dma_wait3A_16 = tpu.memref_slice %arg5[%arg0, %mul3A_2, %dma_wait3A] : memref<2x10240x8xf32, #tpu.memory_space<hbm>> -> memref<1x320x8xf32, #tpu.memory_space<hbm>>
      %dma_wait3A_17 = tpu.memref_squeeze %dma_wait3A_16 : memref<1x320x8xf32, #tpu.memory_space<hbm>> -> memref<320x8xf32, #tpu.memory_space<hbm>>
      %dma_wait3A_18 = arith.constant 0 : i32
      %dma_wait3A_19 = tpu.memref_slice %arg8[%mul3A_2, %dma_wait3A_18] : memref<10240x8xf32, #tpu.memory_space<vmem_shared>> -> memref<320x8xf32, #tpu.memory_space<vmem_shared>>
      tpu.wait_dma2 semaphore(%run_scoped3A_11 : memref<!tpu.dma_semaphore, #tpu.memory_space<semaphore_mem>>) src(%dma_wait3A_19 : memref<320x8xf32, #tpu.memory_space<vmem_shared>>) dst(%dma_wait3A_17 : memref<320x8xf32, #tpu.memory_space<hbm>>)
      tpu.yield
    }) : () -> ()
    return
  }
}

#map = affine_map<(d0, d1) -> (0, 0)>
#map1 = affine_map<(d0, d1) -> (0, 0, 0)>
module attributes {stable_mosaic.version = 14 : i64} {
  func.func @agg(%arg0: i32, %arg1: i32, %arg2: memref<10000x128xf32, #tpu.memory_space<hbm>>, %arg3: memref<2x2560x128xi32, #tpu.memory_space<hbm>>, %arg4: memref<320x128xf32, #tpu.memory_space<hbm>>, %arg5: memref<2x10240x128xf32, #tpu.memory_space<hbm>>, %arg6: memref<2x40x128xi32, #tpu.memory_space<vmem>>, %arg7: memref<2x128x128xf32, #tpu.memory_space<vmem>>, %arg8: memref<10240x128xf32, #tpu.memory_space<vmem_shared>>, %arg9: memref<!tpu.dma_semaphore, #tpu.memory_space<semaphore_mem>>, %arg10: memref<!tpu.dma_semaphore, #tpu.memory_space<semaphore_mem>>, %arg11: memref<!tpu.dma_semaphore, #tpu.memory_space<semaphore_mem>>) attributes {dimension_semantics = [#tpu.dimension_semantics<core_parallel>, #tpu.dimension_semantics<subcore_parallel>], iteration_bounds = array<i64: 2, 16>, scalar_prefetch = 0 : i64, scratch_operands = 6 : i64, tpu.core_type = #tpu.core_type<sc_vector_subcore>, window_params = [{transform_indices = #map}, {transform_indices = #map1}, {transform_indices = #map}, {transform_indices = #map1}]} {
    %mul3A = arith.constant 2 : i32
    %mul3A_0 = arith.muli %arg1, %mul3A : i32
    %add3A = arith.addi %mul3A_0, %arg0 : i32
    %mul3A_1 = arith.constant 320 : i32
    %mul3A_2 = arith.muli %arg1, %mul3A_1 : i32
    "tpu.region"() ({
      %run_scoped3A = tpu.sem_alloc : memref<!tpu.dma_semaphore, #tpu.memory_space<semaphore_mem>>
      %dma_start3A = arith.constant 0 : i32
      %dma_start3A_9 = tpu.memref_slice %arg8[%mul3A_2, %dma_start3A] : memref<10240x128xf32, #tpu.memory_space<vmem_shared>> -> memref<320x128xf32, #tpu.memory_space<vmem_shared>>
      tpu.enqueue_dma source(%arg4 : memref<320x128xf32, #tpu.memory_space<hbm>>) target(%dma_start3A_9 : memref<320x128xf32, #tpu.memory_space<vmem_shared>>) target_semaphore(%run_scoped3A : memref<!tpu.dma_semaphore, #tpu.memory_space<semaphore_mem>>)
      %dma_wait3A = arith.constant 0 : i32
      %dma_wait3A_10 = tpu.memref_slice %arg8[%mul3A_2, %dma_wait3A] : memref<10240x128xf32, #tpu.memory_space<vmem_shared>> -> memref<320x128xf32, #tpu.memory_space<vmem_shared>>
      tpu.wait_dma2 semaphore(%run_scoped3A : memref<!tpu.dma_semaphore, #tpu.memory_space<semaphore_mem>>) src(%arg4 : memref<320x128xf32, #tpu.memory_space<hbm>>) dst(%dma_wait3A_10 : memref<320x128xf32, #tpu.memory_space<vmem_shared>>)
      tpu.yield
    }) : () -> ()
    %barrier3A = arith.constant 0 : index
    tpu.barrier barrier_id(%barrier3A)
    %scan3A = arith.constant 0 : i32
    %scan3A_3 = arith.constant 0 : i32
    %scan3A_4 = arith.constant 2 : i32
    %scan3A_5 = arith.addi %scan3A_3, %scan3A_4 : i32
    %scan3A_6 = arith.constant 1 : i32
    scf.for %scan3A_9 = %scan3A_3 to %scan3A_5 step %scan3A_6  : i32 {
      %mul3A_10 = arith.constant 80 : i32
      %mul3A_11 = arith.muli %add3A, %mul3A_10 : i32
      %mul3A_12 = arith.constant 40 : i32
      %mul3A_13 = arith.muli %scan3A_9, %mul3A_12 : i32
      %add3A_14 = arith.addi %mul3A_11, %mul3A_13 : i32
      "tpu.region"() ({
        %run_scoped3A = tpu.sem_alloc : memref<!tpu.dma_semaphore, #tpu.memory_space<semaphore_mem>>
        %dma_start3A_45 = arith.constant 0 : i32
        %dma_start3A_46 = arith.constant 0 : i32
        %dma_start3A_47 = tpu.memref_slice %arg3[%dma_start3A_45, %add3A_14, %dma_start3A_46] : memref<2x2560x128xi32, #tpu.memory_space<hbm>> -> memref<2x40x128xi32, #tpu.memory_space<hbm>>
        %dma_start3A_48 = arith.constant 0 : i32
        %dma_start3A_49 = arith.constant 0 : i32
        %dma_start3A_50 = tpu.memref_slice %arg3[%dma_start3A_48, %add3A_14, %dma_start3A_49] : memref<2x2560x128xi32, #tpu.memory_space<hbm>> -> memref<2x40x128xi32, #tpu.memory_space<hbm>>
        tpu.enqueue_dma source(%dma_start3A_50 : memref<2x40x128xi32, #tpu.memory_space<hbm>>) target(%arg6 : memref<2x40x128xi32, #tpu.memory_space<vmem>>) target_semaphore(%run_scoped3A : memref<!tpu.dma_semaphore, #tpu.memory_space<semaphore_mem>>)
        %dma_wait3A_51 = arith.constant 0 : i32
        %dma_wait3A_52 = arith.constant 0 : i32
        %dma_wait3A_53 = tpu.memref_slice %arg3[%dma_wait3A_51, %add3A_14, %dma_wait3A_52] : memref<2x2560x128xi32, #tpu.memory_space<hbm>> -> memref<2x40x128xi32, #tpu.memory_space<hbm>>
        %dma_wait3A_54 = arith.constant 0 : i32
        %dma_wait3A_55 = arith.constant 0 : i32
        %dma_wait3A_56 = tpu.memref_slice %arg3[%dma_wait3A_54, %add3A_14, %dma_wait3A_55] : memref<2x2560x128xi32, #tpu.memory_space<hbm>> -> memref<2x40x128xi32, #tpu.memory_space<hbm>>
        tpu.wait_dma2 semaphore(%run_scoped3A : memref<!tpu.dma_semaphore, #tpu.memory_space<semaphore_mem>>) src(%dma_wait3A_56 : memref<2x40x128xi32, #tpu.memory_space<hbm>>) dst(%arg6 : memref<2x40x128xi32, #tpu.memory_space<vmem>>)
        tpu.yield
      }) : () -> ()
      %dma_start3A = arith.constant 0 : i32
      %dma_start3A_15 = arith.constant 0 : i32
      %dma_start3A_16 = arith.constant 0 : i32
      %dma_start3A_17 = arith.constant 0 : i32
      %dma_start3A_18 = arith.constant 0 : i32
      %dma_start3A_19 = tpu.memref_slice %arg7[%dma_start3A_16, %dma_start3A_17, %dma_start3A_18] : memref<2x128x128xf32, #tpu.memory_space<vmem>> -> memref<1x128x128xf32, #tpu.memory_space<vmem>>
      %dma_start3A_20 = tpu.memref_squeeze %dma_start3A_19 : memref<1x128x128xf32, #tpu.memory_space<vmem>> -> memref<128x128xf32, #tpu.memory_space<vmem>>
      %dma_start3A_21 = arith.constant 0 : i32
      %dma_start3A_22 = tpu.memref_slice %arg6[%dma_start3A, %dma_start3A_15, %dma_start3A_21] : memref<2x40x128xi32, #tpu.memory_space<vmem>> -> memref<1x1x128xi32, #tpu.memory_space<vmem>>
      %dma_start3A_23 = tpu.memref_squeeze %dma_start3A_22 : memref<1x1x128xi32, #tpu.memory_space<vmem>> -> memref<128xi32, #tpu.memory_space<vmem>>
      %dma_start3A_24 = arith.constant 0 : i32
      %dma_start3A_25 = arith.constant 0 : i32
      %dma_start3A_26 = tpu.memref_slice %arg2[%dma_start3A_24, %dma_start3A_25] : memref<10000x128xf32, #tpu.memory_space<hbm>> -> memref<10000x128xf32, #tpu.memory_space<hbm>>
      tpu.enqueue_indirect_dma source(%dma_start3A_26 : memref<10000x128xf32, #tpu.memory_space<hbm>>) target(%dma_start3A_20 : memref<128x128xf32, #tpu.memory_space<vmem>>) offsets(%dma_start3A_23 : memref<128xi32, #tpu.memory_space<vmem>>) semaphore(%arg9 : memref<!tpu.dma_semaphore, #tpu.memory_space<semaphore_mem>>)
      %scan3A_27 = arith.constant 0 : i32
      %scan3A_28 = arith.constant 0 : i32
      %scan3A_29 = arith.constant 20 : i32
      %scan3A_30 = arith.addi %scan3A_28, %scan3A_29 : i32
      %scan3A_31 = arith.constant 1 : i32
      scf.for %scan3A_45 = %scan3A_28 to %scan3A_30 step %scan3A_31  : i32 {
        %mul3A_46 = arith.constant 2 : i32
        %mul3A_47 = arith.muli %mul3A_46, %scan3A_45 : i32
        %add3A_48 = arith.constant 1 : i32
        %add3A_49 = arith.addi %mul3A_47, %add3A_48 : i32
        %ge3A = arith.constant 1 : i32
        %ge3A_50 = arith.cmpi sge, %scan3A_45, %ge3A : i32
        %convert_element_type3A = arith.extui %ge3A_50 : i1 to i32
        %cond3A = arith.constant 0 : i32
        %cond3A_51 = arith.cmpi ne, %convert_element_type3A, %cond3A : i32
        scf.if %cond3A_51 {
          %dma_wait3A_133 = arith.constant 1 : i32
          %dma_wait3A_134 = arith.constant 1 : i32
          %dma_wait3A_135 = arith.constant 0 : i32
          %dma_wait3A_136 = arith.constant 0 : i32
          %dma_wait3A_137 = arith.constant 0 : i32
          %dma_wait3A_138 = tpu.memref_slice %arg7[%dma_wait3A_133, %dma_wait3A_136, %dma_wait3A_137] : memref<2x128x128xf32, #tpu.memory_space<vmem>> -> memref<1x128x128xf32, #tpu.memory_space<vmem>>
          %dma_wait3A_139 = tpu.memref_squeeze %dma_wait3A_138 : memref<1x128x128xf32, #tpu.memory_space<vmem>> -> memref<128x128xf32, #tpu.memory_space<vmem>>
          %dma_wait3A_140 = arith.constant 0 : i32
          %dma_wait3A_141 = tpu.memref_slice %arg6[%dma_wait3A_134, %dma_wait3A_135, %dma_wait3A_140] : memref<2x40x128xi32, #tpu.memory_space<vmem>> -> memref<1x1x128xi32, #tpu.memory_space<vmem>>
          %dma_wait3A_142 = tpu.memref_squeeze %dma_wait3A_141 : memref<1x1x128xi32, #tpu.memory_space<vmem>> -> memref<128xi32, #tpu.memory_space<vmem>>
          %dma_wait3A_143 = arith.constant 0 : i32
          %dma_wait3A_144 = arith.constant 0 : i32
          %dma_wait3A_145 = tpu.memref_slice %arg8[%dma_wait3A_143, %dma_wait3A_144] : memref<10240x128xf32, #tpu.memory_space<vmem_shared>> -> memref<10240x128xf32, #tpu.memory_space<vmem_shared>>
          tpu.wait_indirect_dma semaphore(%arg11 : memref<!tpu.dma_semaphore, #tpu.memory_space<semaphore_mem>>) src(%dma_wait3A_139 : memref<128x128xf32, #tpu.memory_space<vmem>>) dst(%dma_wait3A_145 : memref<10240x128xf32, #tpu.memory_space<vmem_shared>>)
        } else {
        }
        %dma_start3A_52 = arith.constant 0 : i32
        %dma_start3A_53 = arith.constant 1 : i32
        %dma_start3A_54 = arith.constant 0 : i32
        %dma_start3A_55 = arith.constant 0 : i32
        %dma_start3A_56 = tpu.memref_slice %arg7[%dma_start3A_53, %dma_start3A_54, %dma_start3A_55] : memref<2x128x128xf32, #tpu.memory_space<vmem>> -> memref<1x128x128xf32, #tpu.memory_space<vmem>>
        %dma_start3A_57 = tpu.memref_squeeze %dma_start3A_56 : memref<1x128x128xf32, #tpu.memory_space<vmem>> -> memref<128x128xf32, #tpu.memory_space<vmem>>
        %dma_start3A_58 = arith.constant 0 : i32
        %dma_start3A_59 = tpu.memref_slice %arg6[%dma_start3A_52, %add3A_49, %dma_start3A_58] : memref<2x40x128xi32, #tpu.memory_space<vmem>> -> memref<1x1x128xi32, #tpu.memory_space<vmem>>
        %dma_start3A_60 = tpu.memref_squeeze %dma_start3A_59 : memref<1x1x128xi32, #tpu.memory_space<vmem>> -> memref<128xi32, #tpu.memory_space<vmem>>
        %dma_start3A_61 = arith.constant 0 : i32
        %dma_start3A_62 = arith.constant 0 : i32
        %dma_start3A_63 = tpu.memref_slice %arg2[%dma_start3A_61, %dma_start3A_62] : memref<10000x128xf32, #tpu.memory_space<hbm>> -> memref<10000x128xf32, #tpu.memory_space<hbm>>
        tpu.enqueue_indirect_dma source(%dma_start3A_63 : memref<10000x128xf32, #tpu.memory_space<hbm>>) target(%dma_start3A_57 : memref<128x128xf32, #tpu.memory_space<vmem>>) offsets(%dma_start3A_60 : memref<128xi32, #tpu.memory_space<vmem>>) semaphore(%arg10 : memref<!tpu.dma_semaphore, #tpu.memory_space<semaphore_mem>>)
        %dma_wait3A_64 = arith.constant 0 : i32
        %dma_wait3A_65 = arith.constant 0 : i32
        %dma_wait3A_66 = arith.constant 0 : i32
        %dma_wait3A_67 = arith.constant 0 : i32
        %dma_wait3A_68 = arith.constant 0 : i32
        %dma_wait3A_69 = tpu.memref_slice %arg7[%dma_wait3A_66, %dma_wait3A_67, %dma_wait3A_68] : memref<2x128x128xf32, #tpu.memory_space<vmem>> -> memref<1x128x128xf32, #tpu.memory_space<vmem>>
        %dma_wait3A_70 = tpu.memref_squeeze %dma_wait3A_69 : memref<1x128x128xf32, #tpu.memory_space<vmem>> -> memref<128x128xf32, #tpu.memory_space<vmem>>
        %dma_wait3A_71 = arith.constant 0 : i32
        %dma_wait3A_72 = tpu.memref_slice %arg6[%dma_wait3A_64, %dma_wait3A_65, %dma_wait3A_71] : memref<2x40x128xi32, #tpu.memory_space<vmem>> -> memref<1x1x128xi32, #tpu.memory_space<vmem>>
        %dma_wait3A_73 = tpu.memref_squeeze %dma_wait3A_72 : memref<1x1x128xi32, #tpu.memory_space<vmem>> -> memref<128xi32, #tpu.memory_space<vmem>>
        %dma_wait3A_74 = arith.constant 0 : i32
        %dma_wait3A_75 = arith.constant 0 : i32
        %dma_wait3A_76 = tpu.memref_slice %arg2[%dma_wait3A_74, %dma_wait3A_75] : memref<10000x128xf32, #tpu.memory_space<hbm>> -> memref<10000x128xf32, #tpu.memory_space<hbm>>
        tpu.wait_indirect_dma semaphore(%arg9 : memref<!tpu.dma_semaphore, #tpu.memory_space<semaphore_mem>>) src(%dma_wait3A_76 : memref<10000x128xf32, #tpu.memory_space<hbm>>) dst(%dma_wait3A_70 : memref<128x128xf32, #tpu.memory_space<vmem>>)
        %dma_start3A_77 = arith.constant 0 : i32
        %dma_start3A_78 = arith.constant 1 : i32
        %dma_start3A_79 = arith.constant 0 : i32
        %dma_start3A_80 = arith.constant 0 : i32
        %dma_start3A_81 = tpu.memref_slice %arg7[%dma_start3A_77, %dma_start3A_79, %dma_start3A_80] : memref<2x128x128xf32, #tpu.memory_space<vmem>> -> memref<1x128x128xf32, #tpu.memory_space<vmem>>
        %dma_start3A_82 = tpu.memref_squeeze %dma_start3A_81 : memref<1x128x128xf32, #tpu.memory_space<vmem>> -> memref<128x128xf32, #tpu.memory_space<vmem>>
        %dma_start3A_83 = arith.constant 0 : i32
        %dma_start3A_84 = tpu.memref_slice %arg6[%dma_start3A_78, %mul3A_47, %dma_start3A_83] : memref<2x40x128xi32, #tpu.memory_space<vmem>> -> memref<1x1x128xi32, #tpu.memory_space<vmem>>
        %dma_start3A_85 = tpu.memref_squeeze %dma_start3A_84 : memref<1x1x128xi32, #tpu.memory_space<vmem>> -> memref<128xi32, #tpu.memory_space<vmem>>
        %dma_start3A_86 = arith.constant 0 : i32
        %dma_start3A_87 = arith.constant 0 : i32
        %dma_start3A_88 = tpu.memref_slice %arg8[%dma_start3A_86, %dma_start3A_87] : memref<10240x128xf32, #tpu.memory_space<vmem_shared>> -> memref<10240x128xf32, #tpu.memory_space<vmem_shared>>
        tpu.enqueue_indirect_dma source(%dma_start3A_82 : memref<128x128xf32, #tpu.memory_space<vmem>>) target(%dma_start3A_88 : memref<10240x128xf32, #tpu.memory_space<vmem_shared>>) offsets(%dma_start3A_85 : memref<128xi32, #tpu.memory_space<vmem>>) semaphore(%arg11 : memref<!tpu.dma_semaphore, #tpu.memory_space<semaphore_mem>>) {add = true}
        %dma_wait3A_89 = arith.constant 0 : i32
        %dma_wait3A_90 = arith.constant 0 : i32
        %dma_wait3A_91 = arith.constant 1 : i32
        %dma_wait3A_92 = arith.constant 0 : i32
        %dma_wait3A_93 = arith.constant 0 : i32
        %dma_wait3A_94 = tpu.memref_slice %arg7[%dma_wait3A_91, %dma_wait3A_92, %dma_wait3A_93] : memref<2x128x128xf32, #tpu.memory_space<vmem>> -> memref<1x128x128xf32, #tpu.memory_space<vmem>>
        %dma_wait3A_95 = tpu.memref_squeeze %dma_wait3A_94 : memref<1x128x128xf32, #tpu.memory_space<vmem>> -> memref<128x128xf32, #tpu.memory_space<vmem>>
        %dma_wait3A_96 = arith.constant 0 : i32
        %dma_wait3A_97 = tpu.memref_slice %arg6[%dma_wait3A_89, %dma_wait3A_90, %dma_wait3A_96] : memref<2x40x128xi32, #tpu.memory_space<vmem>> -> memref<1x1x128xi32, #tpu.memory_space<vmem>>
        %dma_wait3A_98 = tpu.memref_squeeze %dma_wait3A_97 : memref<1x1x128xi32, #tpu.memory_space<vmem>> -> memref<128xi32, #tpu.memory_space<vmem>>
        %dma_wait3A_99 = arith.constant 0 : i32
        %dma_wait3A_100 = arith.constant 0 : i32
        %dma_wait3A_101 = tpu.memref_slice %arg2[%dma_wait3A_99, %dma_wait3A_100] : memref<10000x128xf32, #tpu.memory_space<hbm>> -> memref<10000x128xf32, #tpu.memory_space<hbm>>
        tpu.wait_indirect_dma semaphore(%arg10 : memref<!tpu.dma_semaphore, #tpu.memory_space<semaphore_mem>>) src(%dma_wait3A_101 : memref<10000x128xf32, #tpu.memory_space<hbm>>) dst(%dma_wait3A_95 : memref<128x128xf32, #tpu.memory_space<vmem>>)
        %dma_wait3A_102 = arith.constant 0 : i32
        %dma_wait3A_103 = arith.constant 1 : i32
        %dma_wait3A_104 = arith.constant 0 : i32
        %dma_wait3A_105 = arith.constant 0 : i32
        %dma_wait3A_106 = arith.constant 0 : i32
        %dma_wait3A_107 = tpu.memref_slice %arg7[%dma_wait3A_102, %dma_wait3A_105, %dma_wait3A_106] : memref<2x128x128xf32, #tpu.memory_space<vmem>> -> memref<1x128x128xf32, #tpu.memory_space<vmem>>
        %dma_wait3A_108 = tpu.memref_squeeze %dma_wait3A_107 : memref<1x128x128xf32, #tpu.memory_space<vmem>> -> memref<128x128xf32, #tpu.memory_space<vmem>>
        %dma_wait3A_109 = arith.constant 0 : i32
        %dma_wait3A_110 = tpu.memref_slice %arg6[%dma_wait3A_103, %dma_wait3A_104, %dma_wait3A_109] : memref<2x40x128xi32, #tpu.memory_space<vmem>> -> memref<1x1x128xi32, #tpu.memory_space<vmem>>
        %dma_wait3A_111 = tpu.memref_squeeze %dma_wait3A_110 : memref<1x1x128xi32, #tpu.memory_space<vmem>> -> memref<128xi32, #tpu.memory_space<vmem>>
        %dma_wait3A_112 = arith.constant 0 : i32
        %dma_wait3A_113 = arith.constant 0 : i32
        %dma_wait3A_114 = tpu.memref_slice %arg8[%dma_wait3A_112, %dma_wait3A_113] : memref<10240x128xf32, #tpu.memory_space<vmem_shared>> -> memref<10240x128xf32, #tpu.memory_space<vmem_shared>>
        tpu.wait_indirect_dma semaphore(%arg11 : memref<!tpu.dma_semaphore, #tpu.memory_space<semaphore_mem>>) src(%dma_wait3A_108 : memref<128x128xf32, #tpu.memory_space<vmem>>) dst(%dma_wait3A_114 : memref<10240x128xf32, #tpu.memory_space<vmem_shared>>)
        %add3A_115 = arith.constant 1 : i32
        %add3A_116 = arith.addi %add3A_49, %add3A_115 : i32
        %lt3A = arith.constant 40 : i32
        %lt3A_117 = arith.cmpi slt, %add3A_116, %lt3A : i32
        %convert_element_type3A_118 = arith.extui %lt3A_117 : i1 to i32
        %cond3A_119 = arith.constant 0 : i32
        %cond3A_120 = arith.cmpi ne, %convert_element_type3A_118, %cond3A_119 : i32
        scf.if %cond3A_120 {
          %add3A_133 = arith.constant 1 : i32
          %add3A_134 = arith.addi %add3A_49, %add3A_133 : i32
          %dma_start3A_135 = arith.constant 0 : i32
          %dma_start3A_136 = arith.constant 0 : i32
          %dma_start3A_137 = arith.constant 0 : i32
          %dma_start3A_138 = arith.constant 0 : i32
          %dma_start3A_139 = tpu.memref_slice %arg7[%dma_start3A_136, %dma_start3A_137, %dma_start3A_138] : memref<2x128x128xf32, #tpu.memory_space<vmem>> -> memref<1x128x128xf32, #tpu.memory_space<vmem>>
          %dma_start3A_140 = tpu.memref_squeeze %dma_start3A_139 : memref<1x128x128xf32, #tpu.memory_space<vmem>> -> memref<128x128xf32, #tpu.memory_space<vmem>>
          %dma_start3A_141 = arith.constant 0 : i32
          %dma_start3A_142 = tpu.memref_slice %arg6[%dma_start3A_135, %add3A_134, %dma_start3A_141] : memref<2x40x128xi32, #tpu.memory_space<vmem>> -> memref<1x1x128xi32, #tpu.memory_space<vmem>>
          %dma_start3A_143 = tpu.memref_squeeze %dma_start3A_142 : memref<1x1x128xi32, #tpu.memory_space<vmem>> -> memref<128xi32, #tpu.memory_space<vmem>>
          %dma_start3A_144 = arith.constant 0 : i32
          %dma_start3A_145 = arith.constant 0 : i32
          %dma_start3A_146 = tpu.memref_slice %arg2[%dma_start3A_144, %dma_start3A_145] : memref<10000x128xf32, #tpu.memory_space<hbm>> -> memref<10000x128xf32, #tpu.memory_space<hbm>>
          tpu.enqueue_indirect_dma source(%dma_start3A_146 : memref<10000x128xf32, #tpu.memory_space<hbm>>) target(%dma_start3A_140 : memref<128x128xf32, #tpu.memory_space<vmem>>) offsets(%dma_start3A_143 : memref<128xi32, #tpu.memory_space<vmem>>) semaphore(%arg9 : memref<!tpu.dma_semaphore, #tpu.memory_space<semaphore_mem>>)
        } else {
        }
        %dma_start3A_121 = arith.constant 1 : i32
        %dma_start3A_122 = arith.constant 1 : i32
        %dma_start3A_123 = arith.constant 0 : i32
        %dma_start3A_124 = arith.constant 0 : i32
        %dma_start3A_125 = tpu.memref_slice %arg7[%dma_start3A_121, %dma_start3A_123, %dma_start3A_124] : memref<2x128x128xf32, #tpu.memory_space<vmem>> -> memref<1x128x128xf32, #tpu.memory_space<vmem>>
        %dma_start3A_126 = tpu.memref_squeeze %dma_start3A_125 : memref<1x128x128xf32, #tpu.memory_space<vmem>> -> memref<128x128xf32, #tpu.memory_space<vmem>>
        %dma_start3A_127 = arith.constant 0 : i32
        %dma_start3A_128 = tpu.memref_slice %arg6[%dma_start3A_122, %add3A_49, %dma_start3A_127] : memref<2x40x128xi32, #tpu.memory_space<vmem>> -> memref<1x1x128xi32, #tpu.memory_space<vmem>>
        %dma_start3A_129 = tpu.memref_squeeze %dma_start3A_128 : memref<1x1x128xi32, #tpu.memory_space<vmem>> -> memref<128xi32, #tpu.memory_space<vmem>>
        %dma_start3A_130 = arith.constant 0 : i32
        %dma_start3A_131 = arith.constant 0 : i32
        %dma_start3A_132 = tpu.memref_slice %arg8[%dma_start3A_130, %dma_start3A_131] : memref<10240x128xf32, #tpu.memory_space<vmem_shared>> -> memref<10240x128xf32, #tpu.memory_space<vmem_shared>>
        tpu.enqueue_indirect_dma source(%dma_start3A_126 : memref<128x128xf32, #tpu.memory_space<vmem>>) target(%dma_start3A_132 : memref<10240x128xf32, #tpu.memory_space<vmem_shared>>) offsets(%dma_start3A_129 : memref<128xi32, #tpu.memory_space<vmem>>) semaphore(%arg11 : memref<!tpu.dma_semaphore, #tpu.memory_space<semaphore_mem>>) {add = true}
      }
      %scan3A_32 = arith.constant 20 : i32
      %dma_wait3A = arith.constant 1 : i32
      %dma_wait3A_33 = arith.constant 1 : i32
      %dma_wait3A_34 = arith.constant 0 : i32
      %dma_wait3A_35 = arith.constant 0 : i32
      %dma_wait3A_36 = arith.constant 0 : i32
      %dma_wait3A_37 = tpu.memref_slice %arg7[%dma_wait3A, %dma_wait3A_35, %dma_wait3A_36] : memref<2x128x128xf32, #tpu.memory_space<vmem>> -> memref<1x128x128xf32, #tpu.memory_space<vmem>>
      %dma_wait3A_38 = tpu.memref_squeeze %dma_wait3A_37 : memref<1x128x128xf32, #tpu.memory_space<vmem>> -> memref<128x128xf32, #tpu.memory_space<vmem>>
      %dma_wait3A_39 = arith.constant 0 : i32
      %dma_wait3A_40 = tpu.memref_slice %arg6[%dma_wait3A_33, %dma_wait3A_34, %dma_wait3A_39] : memref<2x40x128xi32, #tpu.memory_space<vmem>> -> memref<1x1x128xi32, #tpu.memory_space<vmem>>
      %dma_wait3A_41 = tpu.memref_squeeze %dma_wait3A_40 : memref<1x1x128xi32, #tpu.memory_space<vmem>> -> memref<128xi32, #tpu.memory_space<vmem>>
      %dma_wait3A_42 = arith.constant 0 : i32
      %dma_wait3A_43 = arith.constant 0 : i32
      %dma_wait3A_44 = tpu.memref_slice %arg8[%dma_wait3A_42, %dma_wait3A_43] : memref<10240x128xf32, #tpu.memory_space<vmem_shared>> -> memref<10240x128xf32, #tpu.memory_space<vmem_shared>>
      tpu.wait_indirect_dma semaphore(%arg11 : memref<!tpu.dma_semaphore, #tpu.memory_space<semaphore_mem>>) src(%dma_wait3A_38 : memref<128x128xf32, #tpu.memory_space<vmem>>) dst(%dma_wait3A_44 : memref<10240x128xf32, #tpu.memory_space<vmem_shared>>)
    }
    %scan3A_7 = arith.constant 2 : i32
    %barrier3A_8 = arith.constant 0 : index
    tpu.barrier barrier_id(%barrier3A_8)
    "tpu.region"() ({
      %run_scoped3A = tpu.sem_alloc : memref<!tpu.dma_semaphore, #tpu.memory_space<semaphore_mem>>
      %dma_start3A = arith.constant 0 : i32
      %dma_start3A_9 = tpu.memref_slice %arg5[%arg0, %mul3A_2, %dma_start3A] : memref<2x10240x128xf32, #tpu.memory_space<hbm>> -> memref<1x320x128xf32, #tpu.memory_space<hbm>>
      %dma_start3A_10 = tpu.memref_squeeze %dma_start3A_9 : memref<1x320x128xf32, #tpu.memory_space<hbm>> -> memref<320x128xf32, #tpu.memory_space<hbm>>
      %dma_start3A_11 = arith.constant 0 : i32
      %dma_start3A_12 = tpu.memref_slice %arg8[%mul3A_2, %dma_start3A_11] : memref<10240x128xf32, #tpu.memory_space<vmem_shared>> -> memref<320x128xf32, #tpu.memory_space<vmem_shared>>
      tpu.enqueue_dma source(%dma_start3A_12 : memref<320x128xf32, #tpu.memory_space<vmem_shared>>) target(%dma_start3A_10 : memref<320x128xf32, #tpu.memory_space<hbm>>) target_semaphore(%run_scoped3A : memref<!tpu.dma_semaphore, #tpu.memory_space<semaphore_mem>>)
      %dma_wait3A = arith.constant 0 : i32
      %dma_wait3A_13 = tpu.memref_slice %arg5[%arg0, %mul3A_2, %dma_wait3A] : memref<2x10240x128xf32, #tpu.memory_space<hbm>> -> memref<1x320x128xf32, #tpu.memory_space<hbm>>
      %dma_wait3A_14 = tpu.memref_squeeze %dma_wait3A_13 : memref<1x320x128xf32, #tpu.memory_space<hbm>> -> memref<320x128xf32, #tpu.memory_space<hbm>>
      %dma_wait3A_15 = arith.constant 0 : i32
      %dma_wait3A_16 = tpu.memref_slice %arg8[%mul3A_2, %dma_wait3A_15] : memref<10240x128xf32, #tpu.memory_space<vmem_shared>> -> memref<320x128xf32, #tpu.memory_space<vmem_shared>>
      tpu.wait_dma2 semaphore(%run_scoped3A : memref<!tpu.dma_semaphore, #tpu.memory_space<semaphore_mem>>) src(%dma_wait3A_16 : memref<320x128xf32, #tpu.memory_space<vmem_shared>>) dst(%dma_wait3A_14 : memref<320x128xf32, #tpu.memory_space<hbm>>)
      tpu.yield
    }) : () -> ()
    return
  }
}

module attributes {stable_mosaic.version = 14 : i64} {
  func.func @_s1_body(%arg0: i32, %arg1: memref<2000x128xf32, #tpu.memory_space<vmem>>, %arg2: memref<128x128xf32, #tpu.memory_space<vmem>>, %arg3: memref<2x2000x8xf32, #tpu.memory_space<vmem>>, %arg4: memref<2000x128xf32, #tpu.memory_space<vmem>>, %arg5: memref<2000x1xf32, #tpu.memory_space<vmem>>) attributes {dimension_semantics = [#tpu.dimension_semantics<arbitrary>], iteration_bounds = array<i64: 5>, scalar_prefetch = 0 : i64, scratch_operands = 0 : i64, tpu.core_type = #tpu.core_type<tc>, window_params = [{transform_indices = @transform_0, window_bounds = array<i64: 2000, 128>}, {pipeline_mode = #tpu.pipeline_mode<synchronous>, transform_indices = @transform_1, window_bounds = array<i64: 128, 128>}, {transform_indices = @transform_2, window_bounds = array<i64: 2, 2000, 8>}, {transform_indices = @transform_3, window_bounds = array<i64: 2000, 128>}, {transform_indices = @transform_4, window_bounds = array<i64: 2000, 1>}]} {
    %get3A = arith.constant 0 : index
    %get3A_0 = arith.constant 0 : index
    %get3A_1 = arith.constant 0 : index
    %get3A_2 = vector.load %arg3[%get3A, %get3A_0, %get3A_1] : memref<2x2000x8xf32, #tpu.memory_space<vmem>>, vector<1x2000x8xf32>
    %get3A_3 = vector.shape_cast %get3A_2 : vector<1x2000x8xf32> to vector<2000x8xf32>
    %get3A_4 = arith.constant 1 : index
    %get3A_5 = arith.constant 0 : index
    %get3A_6 = arith.constant 0 : index
    %get3A_7 = vector.load %arg3[%get3A_4, %get3A_5, %get3A_6] : memref<2x2000x8xf32, #tpu.memory_space<vmem>>, vector<1x2000x8xf32>
    %get3A_8 = vector.shape_cast %get3A_7 : vector<1x2000x8xf32> to vector<2000x8xf32>
    %add3A = arith.addf %get3A_3, %get3A_8 : vector<2000x8xf32>
    %slice3A = vector.extract_strided_slice %add3A {offsets = [0, 0], sizes = [2000, 1], strides = [1, 1]} : vector<2000x8xf32> to vector<2000x1xf32>
    %add3A_9 = arith.constant 1.000000e+00 : f32
    %add3A_10 = vector.broadcast %add3A_9 : f32 to vector<2000x1xf32>
    %add3A_11 = arith.addf %slice3A, %add3A_10 : vector<2000x1xf32>
    %rsqrt3A = math.rsqrt %add3A_11 : vector<2000x1xf32>
    %get3A_12 = arith.constant 0 : index
    %get3A_13 = arith.constant 0 : index
    %get3A_14 = vector.load %arg1[%get3A_12, %get3A_13] : memref<2000x128xf32, #tpu.memory_space<vmem>>, vector<2000x128xf32>
    %get3A_15 = arith.constant 0 : index
    %get3A_16 = arith.constant 0 : index
    %get3A_17 = vector.load %arg2[%get3A_15, %get3A_16] : memref<128x128xf32, #tpu.memory_space<vmem>>, vector<128x128xf32>
    %dot_general3A = arith.constant dense<0.000000e+00> : vector<2000x128xf32>
    %dot_general3A_18 = tpu.matmul %get3A_14, %get3A_17, %dot_general3A {dimension_numbers = #tpu.dot_dimension_numbers<[1], [0], [0], [1], [0, 0, 1, 1], [], []>, transpose_lhs_hint = false} : vector<2000x128xf32>, vector<128x128xf32>, vector<2000x128xf32> -> vector<2000x128xf32>
    %mul3A = vector.broadcast %rsqrt3A : vector<2000x1xf32> to vector<2000x128xf32>
    %mul3A_19 = arith.mulf %dot_general3A_18, %mul3A : vector<2000x128xf32>
    %swap3A = arith.constant 0 : index
    %swap3A_20 = arith.constant 0 : index
    %swap3A_21 = vector.load %arg4[%swap3A, %swap3A_20] : memref<2000x128xf32, #tpu.memory_space<vmem>>, vector<2000x128xf32>
    tpu.vector_store %arg4[%swap3A, %swap3A_20], %mul3A_19 {strides = array<i32>} : memref<2000x128xf32, #tpu.memory_space<vmem>>, vector<2000x128xf32>,
    %swap3A_22 = arith.constant 0 : index
    %swap3A_23 = arith.constant 0 : index
    %swap3A_24 = vector.load %arg5[%swap3A_22, %swap3A_23] : memref<2000x1xf32, #tpu.memory_space<vmem>>, vector<2000x1xf32>
    tpu.vector_store %arg5[%swap3A_22, %swap3A_23], %rsqrt3A {strides = array<i32>} : memref<2000x1xf32, #tpu.memory_space<vmem>>, vector<2000x1xf32>,
    return
  }
  func.func @transform_0(%arg0: i32) -> (i32, i32) {
    %c0_i32 = arith.constant 0 : i32
    %c0_i32_0 = arith.constant 0 : i32
    return %arg0, %c0_i32 : i32, i32
  }
  func.func @transform_1(%arg0: i32) -> (i32, i32) {
    %c0_i32 = arith.constant 0 : i32
    %c0_i32_0 = arith.constant 0 : i32
    %c0_i32_1 = arith.constant 0 : i32
    return %c0_i32, %c0_i32_0 : i32, i32
  }
  func.func @transform_2(%arg0: i32) -> (i32, i32, i32) {
    %c0_i32 = arith.constant 0 : i32
    %c0_i32_0 = arith.constant 0 : i32
    %c0_i32_1 = arith.constant 0 : i32
    return %c0_i32, %arg0, %c0_i32_0 : i32, i32, i32
  }
  func.func @transform_3(%arg0: i32) -> (i32, i32) {
    %c0_i32 = arith.constant 0 : i32
    %c0_i32_0 = arith.constant 0 : i32
    return %arg0, %c0_i32 : i32, i32
  }
  func.func @transform_4(%arg0: i32) -> (i32, i32) {
    %c0_i32 = arith.constant 0 : i32
    %c0_i32_0 = arith.constant 0 : i32
    return %arg0, %c0_i32 : i32, i32
  }
}

module attributes {stable_mosaic.version = 14 : i64} {
  func.func @_s2_body(%arg0: i32, %arg1: memref<2x2000x128xf32, #tpu.memory_space<vmem>>, %arg2: memref<2000x128xf32, #tpu.memory_space<vmem>>, %arg3: memref<2000x1xf32, #tpu.memory_space<vmem>>, %arg4: memref<1x128xf32, #tpu.memory_space<vmem>>, %arg5: memref<128x128xf32, #tpu.memory_space<vmem>>, %arg6: memref<2000x128xf32, #tpu.memory_space<vmem>>) attributes {dimension_semantics = [#tpu.dimension_semantics<arbitrary>], iteration_bounds = array<i64: 5>, scalar_prefetch = 0 : i64, scratch_operands = 0 : i64, tpu.core_type = #tpu.core_type<tc>, window_params = [{transform_indices = @transform_0, window_bounds = array<i64: 2, 2000, 128>}, {transform_indices = @transform_1, window_bounds = array<i64: 2000, 128>}, {transform_indices = @transform_2, window_bounds = array<i64: 2000, 1>}, {pipeline_mode = #tpu.pipeline_mode<synchronous>, transform_indices = @transform_3, window_bounds = array<i64: 1, 128>}, {pipeline_mode = #tpu.pipeline_mode<synchronous>, transform_indices = @transform_4, window_bounds = array<i64: 128, 128>}, {transform_indices = @transform_5, window_bounds = array<i64: 2000, 128>}]} {
    %get3A = arith.constant 0 : index
    %get3A_0 = arith.constant 0 : index
    %get3A_1 = vector.load %arg3[%get3A, %get3A_0] : memref<2000x1xf32, #tpu.memory_space<vmem>>, vector<2000x1xf32>
    %get3A_2 = arith.constant 0 : index
    %get3A_3 = arith.constant 0 : index
    %get3A_4 = arith.constant 0 : index
    %get3A_5 = vector.load %arg1[%get3A_2, %get3A_3, %get3A_4] : memref<2x2000x128xf32, #tpu.memory_space<vmem>>, vector<1x2000x128xf32>
    %get3A_6 = vector.shape_cast %get3A_5 : vector<1x2000x128xf32> to vector<2000x128xf32>
    %get3A_7 = arith.constant 1 : index
    %get3A_8 = arith.constant 0 : index
    %get3A_9 = arith.constant 0 : index
    %get3A_10 = vector.load %arg1[%get3A_7, %get3A_8, %get3A_9] : memref<2x2000x128xf32, #tpu.memory_space<vmem>>, vector<1x2000x128xf32>
    %get3A_11 = vector.shape_cast %get3A_10 : vector<1x2000x128xf32> to vector<2000x128xf32>
    %add3A = arith.addf %get3A_6, %get3A_11 : vector<2000x128xf32>
    %get3A_12 = arith.constant 0 : index
    %get3A_13 = arith.constant 0 : index
    %get3A_14 = vector.load %arg2[%get3A_12, %get3A_13] : memref<2000x128xf32, #tpu.memory_space<vmem>>, vector<2000x128xf32>
    %add3A_15 = arith.addf %add3A, %get3A_14 : vector<2000x128xf32>
    %mul3A = vector.broadcast %get3A_1 : vector<2000x1xf32> to vector<2000x128xf32>
    %mul3A_16 = arith.mulf %add3A_15, %mul3A : vector<2000x128xf32>
    %get3A_17 = arith.constant 0 : index
    %get3A_18 = arith.constant 0 : index
    %get3A_19 = vector.load %arg4[%get3A_17, %get3A_18] : memref<1x128xf32, #tpu.memory_space<vmem>>, vector<1x128xf32>
    %add3A_20 = vector.broadcast %get3A_19 : vector<1x128xf32> to vector<2000x128xf32>
    %add3A_21 = arith.addf %mul3A_16, %add3A_20 : vector<2000x128xf32>
    %max3A = arith.constant 0.000000e+00 : f32
    %max3A_22 = vector.broadcast %max3A : f32 to vector<2000x128xf32>
    %max3A_23 = arith.maximumf %add3A_21, %max3A_22 : vector<2000x128xf32>
    %get3A_24 = arith.constant 0 : index
    %get3A_25 = arith.constant 0 : index
    %get3A_26 = vector.load %arg5[%get3A_24, %get3A_25] : memref<128x128xf32, #tpu.memory_space<vmem>>, vector<128x128xf32>
    %dot_general3A = arith.constant dense<0.000000e+00> : vector<2000x128xf32>
    %dot_general3A_27 = tpu.matmul %max3A_23, %get3A_26, %dot_general3A {dimension_numbers = #tpu.dot_dimension_numbers<[1], [0], [0], [1], [0, 0, 1, 1], [], []>, transpose_lhs_hint = false} : vector<2000x128xf32>, vector<128x128xf32>, vector<2000x128xf32> -> vector<2000x128xf32>
    %mul3A_28 = vector.broadcast %get3A_1 : vector<2000x1xf32> to vector<2000x128xf32>
    %mul3A_29 = arith.mulf %dot_general3A_27, %mul3A_28 : vector<2000x128xf32>
    %swap3A = arith.constant 0 : index
    %swap3A_30 = arith.constant 0 : index
    %swap3A_31 = vector.load %arg6[%swap3A, %swap3A_30] : memref<2000x128xf32, #tpu.memory_space<vmem>>, vector<2000x128xf32>
    tpu.vector_store %arg6[%swap3A, %swap3A_30], %mul3A_29 {strides = array<i32>} : memref<2000x128xf32, #tpu.memory_space<vmem>>, vector<2000x128xf32>,
    return
  }
  func.func @transform_0(%arg0: i32) -> (i32, i32, i32) {
    %c0_i32 = arith.constant 0 : i32
    %c0_i32_0 = arith.constant 0 : i32
    %c0_i32_1 = arith.constant 0 : i32
    return %c0_i32, %arg0, %c0_i32_0 : i32, i32, i32
  }
  func.func @transform_1(%arg0: i32) -> (i32, i32) {
    %c0_i32 = arith.constant 0 : i32
    %c0_i32_0 = arith.constant 0 : i32
    return %arg0, %c0_i32 : i32, i32
  }
  func.func @transform_2(%arg0: i32) -> (i32, i32) {
    %c0_i32 = arith.constant 0 : i32
    %c0_i32_0 = arith.constant 0 : i32
    return %arg0, %c0_i32 : i32, i32
  }
  func.func @transform_3(%arg0: i32) -> (i32, i32) {
    %c0_i32 = arith.constant 0 : i32
    %c0_i32_0 = arith.constant 0 : i32
    %c0_i32_1 = arith.constant 0 : i32
    return %c0_i32, %c0_i32_0 : i32, i32
  }
  func.func @transform_4(%arg0: i32) -> (i32, i32) {
    %c0_i32 = arith.constant 0 : i32
    %c0_i32_0 = arith.constant 0 : i32
    %c0_i32_1 = arith.constant 0 : i32
    return %c0_i32, %c0_i32_0 : i32, i32
  }
  func.func @transform_5(%arg0: i32) -> (i32, i32) {
    %c0_i32 = arith.constant 0 : i32
    %c0_i32_0 = arith.constant 0 : i32
    return %arg0, %c0_i32 : i32, i32
  }
}

module attributes {stable_mosaic.version = 14 : i64} {
  func.func @_s3_body(%arg0: i32, %arg1: memref<2x2000x128xf32, #tpu.memory_space<vmem>>, %arg2: memref<2000x128xf32, #tpu.memory_space<vmem>>, %arg3: memref<2000x1xf32, #tpu.memory_space<vmem>>, %arg4: memref<1x64xf32, #tpu.memory_space<vmem>>, %arg5: memref<1x64xf32, #tpu.memory_space<vmem>>, %arg6: memref<2000x64xf32, #tpu.memory_space<vmem>>, %arg7: memref<2000x64xf32, #tpu.memory_space<vmem>>) attributes {dimension_semantics = [#tpu.dimension_semantics<arbitrary>], iteration_bounds = array<i64: 5>, scalar_prefetch = 0 : i64, scratch_operands = 0 : i64, tpu.core_type = #tpu.core_type<tc>, window_params = [{transform_indices = @transform_0, window_bounds = array<i64: 2, 2000, 128>}, {transform_indices = @transform_1, window_bounds = array<i64: 2000, 128>}, {transform_indices = @transform_2, window_bounds = array<i64: 2000, 1>}, {pipeline_mode = #tpu.pipeline_mode<synchronous>, transform_indices = @transform_3, window_bounds = array<i64: 1, 64>}, {pipeline_mode = #tpu.pipeline_mode<synchronous>, transform_indices = @transform_4, window_bounds = array<i64: 1, 64>}, {transform_indices = @transform_5, window_bounds = array<i64: 2000, 64>}, {transform_indices = @transform_6, window_bounds = array<i64: 2000, 64>}]} {
    %get3A = arith.constant 0 : index
    %get3A_0 = arith.constant 0 : index
    %get3A_1 = arith.constant 0 : index
    %get3A_2 = vector.load %arg1[%get3A, %get3A_0, %get3A_1] : memref<2x2000x128xf32, #tpu.memory_space<vmem>>, vector<1x2000x128xf32>
    %get3A_3 = vector.shape_cast %get3A_2 : vector<1x2000x128xf32> to vector<2000x128xf32>
    %get3A_4 = arith.constant 1 : index
    %get3A_5 = arith.constant 0 : index
    %get3A_6 = arith.constant 0 : index
    %get3A_7 = vector.load %arg1[%get3A_4, %get3A_5, %get3A_6] : memref<2x2000x128xf32, #tpu.memory_space<vmem>>, vector<1x2000x128xf32>
    %get3A_8 = vector.shape_cast %get3A_7 : vector<1x2000x128xf32> to vector<2000x128xf32>
    %add3A = arith.addf %get3A_3, %get3A_8 : vector<2000x128xf32>
    %get3A_9 = arith.constant 0 : index
    %get3A_10 = arith.constant 0 : index
    %get3A_11 = vector.load %arg2[%get3A_9, %get3A_10] : memref<2000x128xf32, #tpu.memory_space<vmem>>, vector<2000x128xf32>
    %add3A_12 = arith.addf %add3A, %get3A_11 : vector<2000x128xf32>
    %get3A_13 = arith.constant 0 : index
    %get3A_14 = arith.constant 0 : index
    %get3A_15 = vector.load %arg3[%get3A_13, %get3A_14] : memref<2000x1xf32, #tpu.memory_space<vmem>>, vector<2000x1xf32>
    %mul3A = vector.broadcast %get3A_15 : vector<2000x1xf32> to vector<2000x128xf32>
    %mul3A_16 = arith.mulf %add3A_12, %mul3A : vector<2000x128xf32>
    %slice3A = vector.extract_strided_slice %mul3A_16 {offsets = [0, 0], sizes = [2000, 64], strides = [1, 1]} : vector<2000x128xf32> to vector<2000x64xf32>
    %get3A_17 = arith.constant 0 : index
    %get3A_18 = arith.constant 0 : index
    %get3A_19 = vector.load %arg4[%get3A_17, %get3A_18] : memref<1x64xf32, #tpu.memory_space<vmem>>, vector<1x64xf32>
    %add3A_20 = vector.broadcast %get3A_19 : vector<1x64xf32> to vector<2000x64xf32>
    %add3A_21 = arith.addf %slice3A, %add3A_20 : vector<2000x64xf32>
    %swap3A = arith.constant 0 : index
    %swap3A_22 = arith.constant 0 : index
    %swap3A_23 = vector.load %arg6[%swap3A, %swap3A_22] : memref<2000x64xf32, #tpu.memory_space<vmem>>, vector<2000x64xf32>
    tpu.vector_store %arg6[%swap3A, %swap3A_22], %add3A_21 {strides = array<i32>} : memref<2000x64xf32, #tpu.memory_space<vmem>>, vector<2000x64xf32>,
    %slice3A_24 = vector.extract_strided_slice %mul3A_16 {offsets = [0, 64], sizes = [2000, 64], strides = [1, 1]} : vector<2000x128xf32> to vector<2000x64xf32>
    %get3A_25 = arith.constant 0 : index
    %get3A_26 = arith.constant 0 : index
    %get3A_27 = vector.load %arg5[%get3A_25, %get3A_26] : memref<1x64xf32, #tpu.memory_space<vmem>>, vector<1x64xf32>
    %add3A_28 = vector.broadcast %get3A_27 : vector<1x64xf32> to vector<2000x64xf32>
    %add3A_29 = arith.addf %slice3A_24, %add3A_28 : vector<2000x64xf32>
    %swap3A_30 = arith.constant 0 : index
    %swap3A_31 = arith.constant 0 : index
    %swap3A_32 = vector.load %arg7[%swap3A_30, %swap3A_31] : memref<2000x64xf32, #tpu.memory_space<vmem>>, vector<2000x64xf32>
    tpu.vector_store %arg7[%swap3A_30, %swap3A_31], %add3A_29 {strides = array<i32>} : memref<2000x64xf32, #tpu.memory_space<vmem>>, vector<2000x64xf32>,
    return
  }
  func.func @transform_0(%arg0: i32) -> (i32, i32, i32) {
    %c0_i32 = arith.constant 0 : i32
    %c0_i32_0 = arith.constant 0 : i32
    %c0_i32_1 = arith.constant 0 : i32
    return %c0_i32, %arg0, %c0_i32_0 : i32, i32, i32
  }
  func.func @transform_1(%arg0: i32) -> (i32, i32) {
    %c0_i32 = arith.constant 0 : i32
    %c0_i32_0 = arith.constant 0 : i32
    return %arg0, %c0_i32 : i32, i32
  }
  func.func @transform_2(%arg0: i32) -> (i32, i32) {
    %c0_i32 = arith.constant 0 : i32
    %c0_i32_0 = arith.constant 0 : i32
    return %arg0, %c0_i32 : i32, i32
  }
  func.func @transform_3(%arg0: i32) -> (i32, i32) {
    %c0_i32 = arith.constant 0 : i32
    %c0_i32_0 = arith.constant 0 : i32
    %c0_i32_1 = arith.constant 0 : i32
    return %c0_i32, %c0_i32_0 : i32, i32
  }
  func.func @transform_4(%arg0: i32) -> (i32, i32) {
    %c0_i32 = arith.constant 0 : i32
    %c0_i32_0 = arith.constant 0 : i32
    %c0_i32_1 = arith.constant 0 : i32
    return %c0_i32, %c0_i32_0 : i32, i32
  }
  func.func @transform_5(%arg0: i32) -> (i32, i32) {
    %c0_i32 = arith.constant 0 : i32
    %c0_i32_0 = arith.constant 0 : i32
    return %arg0, %c0_i32 : i32, i32
  }
  func.func @transform_6(%arg0: i32) -> (i32, i32) {
    %c0_i32 = arith.constant 0 : i32
    %c0_i32_0 = arith.constant 0 : i32
    return %arg0, %c0_i32 : i32, i32
  }
}

</mosaic_0001>

<sc_bundles>
// kernel: kernel.11.cloned.1.call-start
scs
__scs_entry_jumppad:
0x0: {  	(pc) =	sbr.rel $0x88, $3  }
0x1: {  	(tag) =	ssettag $0x0;
	lr =	simm.s32 $0x1  }
0x2: {  	[smem:$0x3F99] =	sst lr;
	_ =	strace $0xD0000000  }
0x3: {  	_ = 	snop  }
0x4: {  	_ = 	snop  }
0x5: {  	_ = 	snop  }
0x6: {  	_ = 	snop  }
0x7: {  	_ = 	snop  }
__scs_overlays_trampoline_lowered:
0x8: {  	[smem:$0x3FA8] =	sst s0  }
0x9: {  	[smem:$0x3FA9] =	sst s1  }
0xa: {  	[smem:$0x3FAA] =	sst s2  }
0xb: {  	[smem:$0x3FAB] =	sst s3  }
0xc: {  	[smem:$0x3FAC] =	sst s4  }
0xd: {  	[smem:$0x3FAD] =	sst s5  }
0xe: {  	[smem:$0x3FAE] =	sst s6  }
0xf: {  	[smem:$0x3FAF] =	sst s7  }
0x10: {  	[smem:$0x3FB0] =	sst s8  }
0x11: {  	[smem:$0x3FB1] =	sst s9;
	s0 =	simm.s32 @!p0 $0x0  }
0x12: {  	s1 =	sld [smem:$0x3F97];
	s0 =	simm.s32 @p0 $0x1  }
0x13: {  	[smem:$0x3FB2] =	sst s0;
	s0 =	simm.s32 @!p1 $0x0  }
0x14: {  	s2 =	sld [smem:$0x3F96];
	s0 =	simm.s32 @p1 $0x1  }
0x15: {  	[smem:$0x3FB3] =	sst s0;
	s0 =	simm.s32 @!p2 $0x0  }
0x16: {  	s3 =	sld [smem:$0x3FDB];
	s0 =	simm.s32 @p2 $0x1  }
0x17: {  	s4 =	simm.s32 $0x1BF5;
	[smem:$0x3FB5] =	sst s0  }
0x18: {  	s0 =	sld [smem:$0x3F98];
	_ =	swait.ge [sflag:s4], $0x0  }
0x19: {  	s7 =	sld [smem:$0x3F99]  }
0x1a: {  	s8 =	sadd.s32 $0xFFFFE003, lr  }
0x1b: {  	s9 =	sadd.s32 $0xFFFFFEF7, lr;
	s5 =	simm.s32 $0xFFFFFFFF;
	p2 =	slt.u32 s8, $0xFFFFF086  }
0x1c: {  	p1 =	slt.u32 s9, $0xF7A;
	s5 =	simm.s32 @!p2 $0x0  }
0x1d: {  	s5 =	simm.s32 @p1 $0x1;
	p0 =	seq.s32 s7, s2  }
0x1e: {  	s7 =	smul.u32 @!p0 $0xF7A, s2;
	p2 =	seq.s32 @!p0 s5, $0x0  }
0x1f: {  	s9 =	smul.u32 $0xF7A, s1;
	s8 =	simm.s32 @!p0 $0x1BF5;
	p2 =	por !p2, p0  }
0x20: {  	[sflag:s8] =	ssyncset.s32 @!p0 $0xFFFFF086;
	s6 =	sadd.s32 @!p0 s3, s7;
	s7 =	simm.s32 @!p0 $0x108  }
0x21: {  	s3 =	sadd.s32 s3, s9;
	s6 =	sadd.s32 @!p0 $0x88, s6;
	s7 =	simm.s32 @p2 $0x1082  }
0x22: {  	[simem:s7], [sflag:s8] =	dma.local @!p0 [hbm:s6], $0xF7A  }
0x23: {  	s9 =	sor.u32 $0xD0000000, s2;
	s6 =	simm.s32 $0x108;
	_ =	swait.ge @!p0 [sflag:s8], $0x0  }
0x24: {  	s3 =	sadd.s32 $0x88, s3;
	s6 =	simm.s32 @!p1 $0x1082;
	[sflag:s4] =	ssyncset.s32 $0xFFFFF086  }
0x25: {  	[simem:s6], [sflag:s4] =	dma.local [hbm:s3], $0xF7A  }
0x26: {  	[smem:$0x3F99] =	sst s1;
	(tag) =	ssettag s2;
	_ =	strace s9  }
0x27: {  	s1 =	sld [smem:$0x3FA9]  }
0x28: {  	s2 =	sld [smem:$0x3FAA]  }
0x29: {  	s4 =	sld [smem:$0x3FAC]  }
0x2a: {  	p0 =	seq.s32 s5, $0x0;
	s5 =	sld [smem:$0x3FAD]  }
0x2b: {  	s6 =	sld [smem:$0x3FAE]  }
0x2c: {  	s7 =	sld [smem:$0x3FAF]  }
0x2d: {  	s3 =	simm.s32 $0x108;
	s8 =	sld [smem:$0x3FB0]  }
0x2e: {  	s3 =	simm.s32 @!p0 $0x1082;
	s9 =	sld [smem:$0x3FB1]  }
0x2f: {  	lr =	sadd.s32 s0, s3;
	s0 =	sld [smem:$0x3FA8]  }
0x30: {  	s3 =	sld [smem:$0x3FAB]  }
0x31: {  	[smem:$0x3FB4] =	sst s10  }
0x32: {  	s10 =	sld [smem:$0x3FB2];
	_ =	sdelay $0x3  }
0x33: {  	p0 =	seq.s32 s10, $0x1;
	s10 =	sld [smem:$0x3FB4];
	_ =	sdelay $0x3  }
0x34: {  	[smem:$0x3FB4] =	sst s10  }
0x35: {  	s10 =	sld [smem:$0x3FB3];
	_ =	sdelay $0x3  }
0x36: {  	p1 =	seq.s32 s10, $0x1;
	s10 =	sld [smem:$0x3FB4];
	_ =	sdelay $0x3  }
0x37: {  	[smem:$0x3FB4] =	sst s10  }
0x38: {  	s10 =	sld [smem:$0x3FB5]  }
0x39: {  	_ = 	snop;
	(pc) =	sbr.ind lr, $3  }
0x3a: {  	_ = 	snop  }
0x3b: {  	_ = 	snop  }
0x3c: {  	p2 =	seq.s32 s10, $0x1;
	s10 =	sld [smem:$0x3FB4]  }
0x3d: {  	_ =	shalt  }
0x3e: {  	_ =	shalt  }
0x3f: {  	_ =	shalt  }
0x40: {  	_ =	shalt  }
0x41: {  	_ =	shalt  }
0x42: {  	_ =	shalt  }
0x43: {  	_ =	shalt  }
0x44: {  	_ =	shalt  }
0x45: {  	_ =	shalt  }
0x46: {  	_ =	shalt  }
0x47: {  	_ =	shalt  }
0x48: {  	_ =	shalt  }
0x49: {  	_ =	shalt  }
0x4a: {  	_ =	shalt  }
0x4b: {  	_ =	shalt  }
0x4c: {  	_ =	shalt  }
0x4d: {  	_ =	shalt  }
0x4e: {  	_ =	shalt  }
0x4f: {  	_ =	shalt  }
0x50: {  	_ =	shalt  }
0x51: {  	_ =	shalt  }
0x52: {  	_ =	shalt  }
0x53: {  	_ =	shalt  }
0x54: {  	_ =	shalt  }
0x55: {  	_ =	shalt  }
0x56: {  	_ =	shalt  }
0x57: {  	_ =	shalt  }
0x58: {  	_ =	shalt  }
0x59: {  	_ =	shalt  }
0x5a: {  	_ =	shalt  }
0x5b: {  	_ =	shalt  }
0x5c: {  	_ =	shalt  }
0x5d: {  	_ =	shalt  }
0x5e: {  	_ =	shalt  }
0x5f: {  	_ =	shalt  }
0x60: {  	_ =	shalt  }
0x61: {  	_ =	shalt  }
0x62: {  	_ =	shalt  }
0x63: {  	_ =	shalt  }
0x64: {  	_ =	shalt  }
0x65: {  	_ =	shalt  }
0x66: {  	_ =	shalt  }
0x67: {  	_ =	shalt  }
0x68: {  	_ =	shalt  }
0x69: {  	_ =	shalt  }
0x6a: {  	_ =	shalt  }
0x6b: {  	_ =	shalt  }
0x6c: {  	_ =	shalt  }
0x6d: {  	_ =	shalt  }
0x6e: {  	_ =	shalt  }
0x6f: {  	_ =	shalt  }
0x70: {  	_ =	shalt  }
0x71: {  	_ =	shalt  }
0x72: {  	_ =	shalt  }
0x73: {  	_ =	shalt  }
0x74: {  	_ =	shalt  }
0x75: {  	_ =	shalt  }
0x76: {  	_ =	shalt  }
0x77: {  	_ =	shalt  }
0x78: {  	_ =	shalt  }
0x79: {  	_ =	shalt  }
0x7a: {  	_ =	shalt  }
0x7b: {  	_ =	shalt  }
0x7c: {  	_ =	shalt  }
0x7d: {  	_ =	shalt  }
0x7e: {  	_ =	shalt  }
0x7f: {  	_ =	shalt  }
0x80: {  	_ =	shalt  }
0x81: {  	_ =	shalt  }
0x82: {  	_ =	shalt  }
0x83: {  	_ =	shalt  }
0x84: {  	_ =	shalt  }
0x85: {  	_ =	shalt  }
0x86: {  	_ =	shalt  }
0x87: {  	_ =	shalt  }
.Lfunc_end0:
.L_simem_size_0:
called_computation.1_lowered:
.L_overlay_start_0:
0x88: {  	s2 =	sld [smem:$0x3FD9]  }
0x89: {  	s3 =	sld [smem:$0x3FFE];
	_ =	sdelay $0x1  }
0x8a: {  	s1 =	srdreg.scid  }
0x8b: {  	s0 =	sand.u32 $0x1, s1  }
0x8c: {  	s14 =	sshll.u32 s0, $0xA;
	s2 =	sadd.s32 s3, s2  }
0x8d: {  	s2 =	sadd.s32 s2, s14  }
0x8e: {  	[smem:$0x3FC0] =	sst s2  }
0x8f: {  	_ = 	snop  }
0x90: {  	s2 =	sld [smem:$0x3FD0];
	_ =	sdelay $0x2  }
0x91: {  	s15 =	simm.s32 $0xA;
	s4 =	simm.s32 $0x10  }
0x92: {  	[smem:s4], [sflag:s15] =	dma.local [hbm:s2], $0x1  }
0x93: {  	_ =	swait.eq [sflag:s15], $0x1  }
0x94: {  	[sflag:s15] =	ssyncset.done $0x0  }
0x95: {  	[sflag:s15] =	ssyncadd.s32 $0xFFFFFFFF  }
0x96: {  	s16 =	sld [smem:$0x11];
	(tm) =	ssettm $0x1  }
0x97: {  	s17 =	sld [smem:$0x3FFB];
	_ =	sdelay $0x3  }
0x98: {  	_ =	strace s17  }
0x99: {  	s3 =	sld [smem:$0x3FFC];
	_ =	sdelay $0x3  }
0x9a: {  	_ =	strace s3  }
0x9b: {  	s3 =	sld [smem:$0x3FFD];
	_ =	sdelay $0x3  }
0x9c: {  	_ =	strace s3  }
0x9d: {  	_ =	strace $0x8FFFFFFF  }
0x9e: {  	s18 =	sld [smem:$0x3FDB];
	_ =	sdelay $0x1  }
0x9f: {  	s19 =	simm.s32 $_scs_section_size  }
0xa0: {  	s5 =	simm.s32 $_size__tile_overlayer_lowered;
	s6 =	simm.s32 $_tile_overlayer_lowered  }
0xa1: {  	s22 =	simm.s32 $0x1BFF;
	s21 =	sshll.u32 s6, $0x1;
	s3 =	sadd.s32 s19, s18  }
0xa2: {  	s7 =	simm.s32 $0x0;
	s20 =	sshll.u32 s5, $0x1;
	s5 =	sadd.s32 s21, s3  }
0xa3: {  	[timem:s7], [sflag:s22] =	dma.local [hbm:s5], s20  }
0xa4: {  	_ =	swait.ge [sflag:s22], s20  }
0xa5: {  	s4 =	ssub.s32 $0x0, s20;
	[sflag:s22] =	ssyncset.done $0x0  }
0xa6: {  	[sflag:s22] =	ssyncadd.s32 s4;
	_ =	sdelay $0x1  }
0xa7: {  	s23 =	simm.s32 $0x1B8B  }
0xa8: {  	_ =	swait.ge [sflag:s23], $0x1  }
0xa9: {  	[sflag:s23] =	ssyncset.done $0x0  }
0xaa: {  	s25 =	simm.s32 $0x1B8E;
	s24 =	sld [smem:$0x3FFE];
	[sflag:s23] =	ssyncadd.s32 $0xFFFFFFFF  }
0xab: {  	s26 =	simm.s32 $execute0_lowered;
	[smem:$0x3FD2] =	sst s25  }
0xac: {  	s5 =	sshll.u32 s26, $0x1;
	_ =	strace $0x80000049;
	[dreg:$0x1] =	wrdreg $0xFFFFFFFF  }
0xad: {  	s28 =	simm.s32 $_size_execute0_lowered;
	s3 =	sadd.s32 s3, s5;
	[dreg:$0x0] =	wrdreg $0x0  }
0xae: {  	s5 =	sshll.u32 s28, $0x1;
	[dreg:$0x2] =	wrdreg s3  }
0xaf: {  	[dreg:$0x3] =	wrdreg s5  }
0xb0: {  	[dreg:$0x4] =	wrdreg $0xC0  }
0xb1: {  	_ =	task [dreg:s7], $0x5FFFF  }
0xb2: {  	[dreg:$0x1] =	wrdreg $0xFFFFFFFF  }
0xb3: {  	[dreg:$0x0] =	wrdreg $0x60  }
0xb4: {  	[dreg:$0x2] =	wrdreg s24  }
0xb5: {  	[dreg:$0x3] =	wrdreg s16  }
0xb6: {  	[dreg:$0x4] =	wrdreg $0xA8000  }
0xb7: {  	[dreg:$0x5] =	wrdreg $0x9  }
0xb8: {  	_ =	task.clear_ibuf [dreg:s7], $0x6FFFF;
	_ =	strace $0x90000049  }
0xb9: {  	s29 =	simm.s32 $0x9;
	_ =	strace $0x8000004B  }
0xba: {  	_ =	swait.ge [sflag:s29], $0x1  }
0xbb: {  	[sflag:s29] =	ssyncadd.s32 $0xFFFFFFFF  }
0xbc: {  	_ =	strace $0x9000004B  }
0xbd: {  	_ =	sfence  }
0xbe: {  	s30 =	sld [smem:$0x0];
	_ =	sdelay $0x2  }
0xbf: {  	s31 =	sshll.u32 s1, $0xD;
	s1 =	sshrl.u32 s1, $0x2  }
0xc0: {  	s3 =	sand.u32 $0x4000, s31;
	s1 =	sadd.s32 s1, s30  }
0xc1: {  	s0 =	sor.u32 s3, s0;
	s1 =	sshll.u32 s1, $0x11  }
0xc2: {  	s0 =	sor.u32 s1, s0  }
0xc3: {  	s0 =	sadd.s32 $0x8F2B, s0  }
0xc4: {  	[sflag:s0] =	ssyncadd.remote.s32 $0x1  }
0xc5: {  	_ =	sfence.sel $0xFFFF  }
0xc6: {  	[dreg:$0x0] =	wrdreg $0xFFFFFFFF;
	(pc) =	sbr.abs _section_cstart, $3  }
0xc7: {  	[dreg:$0x1] =	wrdreg $0xFFFFFFFF  }
0xc8: {  	_ =	task.clear_ibuf [dreg:s7], $0x2FFFF;
	_ =	strace $0x9FFFFFFF  }
0xc9: {  	(tm) =	ssettm $0x7FFFFFFF  }
tec
execute0_lowered:
.L_overlay_start_1:
0x0: {  	(tag) =	ssettag $0x1  }
0x1: {  	s6 =	rddreg [dreg:$0x0]  }
0x2: {  	s2 =	rddreg [dreg:$0x1]  }
0x3: {  	s3 =	rddreg [dreg:$0x2];
	s4 =	srdreg.scid  }
0x4: {  	s0 =	rddreg [dreg:$0x3];
	s1 =	stileid.u32;
	s13 =	simm.s32 $0x1400  }
0x5: {  	s14 =	simm.s32 $0x50000;
	s15 =	simm.s32 $0x80;
	s16 =	simm.s32 $0x2800  }
0x6: {  	s17 =	simm.s32 $0x6800;
	s18 =	simm.s32 $0x1;
	s19 =	simm.s32 $0x2  }
0x7: {  	s20 =	simm.s32 $0x3;
	s21 =	simm.s32 $0x100;
	s22 =	simm.s32 $0x1480  }
0x8: {  	s23 =	simm.s32 $0x0;
	s7 =	sand.u32 $0x1, s4;
	s9 =	smul.u32 $0xA000, s1  }
0x9: {  	s4 =	simm.s32 $0x0;
	s5 =	sshll.u32 s1, $0x1;
	s29 =	smul.u32 $0x28000, s1  }
0xa: {  	s31 =	sshll.u32 s1, $0x6;
	s8 =	smul.u32 $0x140000, s7;
	[smem:$0x7FF] =	sst s4  }
0xb: {  	s5 =	sor.u32 s7, s5;
	s7 =	ssub.s32 $0x2, s7;
	_ =	strace $0x8000004A  }
0xc: {  	s10 =	smul.u32 $0x500, s5;
	s5 =	sadd.s32 $0x16C00, s6;
	s30 =	sshrl.u32 s7, $0x1  }
.Ltmp0:
0xd: {  	s8 =	sadd.s32 s9, s8;
	s9 =	sshrl.u32 s29, $0x2;
	(pc) =	sbr.rel .LBB2_1-.Ltmp0, $4  }
0xe: {  	s11 =	ssub.s32 s7, s30;
	s10 =	sadd.s32 s10, s6;
	s8 =	sshrl.u32 s8, $0x3  }
0xf: {  	s12 =	sadd.s32 s9, s3;
	s8 =	sadd.s32 s8, s6;
	s6 =	sor.u32 $0x1C04, s31  }
0x10: {  	s9 =	sadd.s32 $0x2C00, s10;
	s10 =	sadd.s32 $0x2E80, s10;
	s7 =	sadd.s32 $0x3DE00, s8  }
0x11: {  	s8 =	smax.u32 s11, $0x1;
	s11 =	sshrl.u32 s12, $0x3;
	s12 =	simm.s32 $0x4  }
.LBB2_7:
0x12: {  	[spmem:s3] =	stream.indirect.scatter.add.f32 [tilespmem:s17], [sflag:$0x3], $0x80, s26, s15, $0xb8;
	[tilespmem:$0x1E800] =	vst v63  }
0x13: {  	_ =	swait.ge [sflag:s20], $0x4000  }
0x14: {  	s23 =	sadd.s32 $0x1, s23;
	[sflag:s20] =	ssyncset.done $0x0  }
0x15: {  	p0 =	sne.s32 s23, s8;
	[sflag:s20] =	ssyncadd.s32 $0xFFFFC000  }
.Ltmp1:
0x16: {  	[bflag:$0x0] =	sbarrier.arrive $0xFFFF;
	(pc) =	sbr.rel @!p0 .LBB2_8-.Ltmp1, $4  }
0x17: {  	[hbm:s7], [sflag:s6] =	dma.local [spmem:s11], $0x1400  }
0x18: {  	_ =	swait.ge [sflag:s12], $0x1400  }
0x19: {  	[sflag:s12] =	ssyncset.done $0x0  }
0x1a: {  	[sflag:s12] =	ssyncadd.s32 $0xFFFFEC00  }
.LBB2_1:
0x1b: {  	[spmem:s11], [sflag:s6] =	dma.local [hbm:s2], $0x1400  }
0x1c: {  	_ =	swait.ge [sflag:s12], $0x1400  }
0x1d: {  	[sflag:s12] =	ssyncset.done $0x0  }
0x1e: {  	[sflag:s12] =	ssyncadd.s32 $0xFFFFEC00  }
0x1f: {  	[bflag:$0x0] =	sbarrier.arrive $0xFFFF  }
0x20: {  	[tilespmem:s4], [sflag:$0x4] =	stream.strided.gather [hbm4b:s9+s13], $0x2800, s14, s13, $0x38;
	[tilespmem:$0x1E800] =	vst v63  }
0x21: {  	_ =	swait.ge [sflag:s12], $0x2800  }
0x22: {  	[sflag:s12] =	ssyncset.done $0x0  }
0x23: {  	[sflag:s12] =	ssyncadd.s32 $0xFFFFD800  }
0x24: {  	[tilespmem:s16], [sflag:$0x1] =	stream.indirect.gather [hbm4b:s5+s15], $0x80, s4, s15, $0xb8;
	[tilespmem:$0x1E800] =	vst v63  }
0x25: {  	_ = 	snop  }
0x26: {  	[tilespmem:s17], [sflag:$0x2] =	stream.indirect.gather [hbm4b:s5+s15], $0x80, s15, s15, $0xb8;
	[tilespmem:$0x1E800] =	vst v63  }
0x27: {  	_ =	swait.ge [sflag:s18], $0x4000  }
0x28: {  	[sflag:s18] =	ssyncset.done $0x0  }
0x29: {  	[sflag:s18] =	ssyncadd.s32 $0xFFFFC000  }
0x2a: {  	[spmem:s3] =	stream.indirect.scatter.add.f32 [tilespmem:s16], [sflag:$0x3], $0x80, s13, s15, $0xb8;
	[tilespmem:$0x1E800] =	vst v63  }
0x2b: {  	_ =	swait.ge [sflag:s19], $0x4000  }
0x2c: {  	[sflag:s19] =	ssyncset.done $0x0  }
0x2d: {  	[sflag:s19] =	ssyncadd.s32 $0xFFFFC000  }
0x2e: {  	_ =	swait.ge [sflag:s20], $0x4000  }
0x2f: {  	[sflag:s20] =	ssyncset.done $0x0  }
0x30: {  	[sflag:s20] =	ssyncadd.s32 $0xFFFFC000  }
0x31: {  	[tilespmem:s16], [sflag:$0x1] =	stream.indirect.gather [hbm4b:s5+s15], $0x80, s21, s15, $0xb8;
	[tilespmem:$0x1E800] =	vst v63  }
0x32: {  	s24 =	simm.s32 $0x800  }
0x33: {  	[spmem:s3] =	stream.indirect.scatter.add.f32 [tilespmem:s17], [sflag:$0x3], $0x80, s22, s15, $0xb8;
	[tilespmem:$0x1E800] =	vst v63  }
.LBB2_2:
0x34: {  	_ =	swait.ge [sflag:s20], $0x4000  }
0x35: {  	s25 =	sshra.s32 s24, $0x2;
	[sflag:s20] =	ssyncset.done $0x0  }
0x36: {  	s26 =	sadd.s32 $0xFFFFFF80, s25;
	[sflag:s20] =	ssyncadd.s32 $0xFFFFC000  }
0x37: {  	[tilespmem:s17], [sflag:$0x2] =	stream.indirect.gather [hbm4b:s5+s15], $0x80, s26, s15, $0xb8;
	[tilespmem:$0x1E800] =	vst v63  }
0x38: {  	_ =	swait.ge [sflag:s18], $0x4000  }
0x39: {  	[sflag:s18] =	ssyncset.done $0x0  }
0x3a: {  	s31 =	sadd.s32 $0x1300, s25;
	[sflag:s18] =	ssyncadd.s32 $0xFFFFC000  }
0x3b: {  	[spmem:s3] =	stream.indirect.scatter.add.f32 [tilespmem:s16], [sflag:$0x3], $0x80, s31, s15, $0xb8;
	[tilespmem:$0x1E800] =	vst v63  }
0x3c: {  	p0 =	seq.s32 s24, $0x5000;
	_ =	swait.ge [sflag:s19], $0x4000  }
.Ltmp2:
0x3d: {  	[sflag:s19] =	ssyncset.done $0x0;
	(pc) =	sbr.rel @p0 .LBB2_4-.Ltmp2, $4  }
0x3e: {  	[sflag:s19] =	ssyncadd.s32 $0xFFFFC000  }
0x3f: {  	_ =	swait.ge [sflag:s20], $0x4000  }
0x40: {  	[sflag:s20] =	ssyncset.done $0x0  }
0x41: {  	s26 =	sadd.s32 $0x1380, s25;
	[sflag:s20] =	ssyncadd.s32 $0xFFFFC000  }
.Ltmp3:
0x42: {  	(pc) =	sbr.rel .LBB2_2-.Ltmp3, $4  }
0x43: {  	_ = 	snop  }
0x44: {  	[tilespmem:s16], [sflag:$0x1] =	stream.indirect.gather [hbm4b:s5+s15], $0x80, s25, s15, $0xb8;
	[tilespmem:$0x1E800] =	vst v63  }
0x45: {  	s24 =	sadd.s32 $0x400, s24  }
0x46: {  	[spmem:s3] =	stream.indirect.scatter.add.f32 [tilespmem:s17], [sflag:$0x3], $0x80, s26, s15, $0xb8;
	[tilespmem:$0x1E800] =	vst v63  }
.LBB2_4:
0x47: {  	[spmem:s3] =	stream.indirect.scatter.add.f32 [tilespmem:s17], [sflag:$0x3], $0x80, s26, s15, $0xb8;
	[tilespmem:$0x1E800] =	vst v63  }
0x48: {  	_ =	swait.ge [sflag:s20], $0x4000  }
0x49: {  	[sflag:s20] =	ssyncset.done $0x0  }
0x4a: {  	[sflag:s20] =	ssyncadd.s32 $0xFFFFC000  }
0x4b: {  	[tilespmem:s4], [sflag:$0x4] =	stream.strided.gather [hbm4b:s10+s13], $0x2800, s14, s13, $0x38;
	[tilespmem:$0x1E800] =	vst v63  }
0x4c: {  	_ =	swait.ge [sflag:s12], $0x2800  }
0x4d: {  	[sflag:s12] =	ssyncset.done $0x0  }
0x4e: {  	[sflag:s12] =	ssyncadd.s32 $0xFFFFD800  }
0x4f: {  	[tilespmem:s16], [sflag:$0x1] =	stream.indirect.gather [hbm4b:s5+s15], $0x80, s4, s15, $0xb8;
	[tilespmem:$0x1E800] =	vst v63  }
0x50: {  	_ = 	snop  }
0x51: {  	[tilespmem:s17], [sflag:$0x2] =	stream.indirect.gather [hbm4b:s5+s15], $0x80, s15, s15, $0xb8;
	[tilespmem:$0x1E800] =	vst v63  }
0x52: {  	_ =	swait.ge [sflag:s18], $0x4000  }
0x53: {  	[sflag:s18] =	ssyncset.done $0x0  }
0x54: {  	[sflag:s18] =	ssyncadd.s32 $0xFFFFC000  }
0x55: {  	[spmem:s3] =	stream.indirect.scatter.add.f32 [tilespmem:s16], [sflag:$0x3], $0x80, s13, s15, $0xb8;
	[tilespmem:$0x1E800] =	vst v63  }
0x56: {  	_ =	swait.ge [sflag:s19], $0x4000  }
0x57: {  	[sflag:s19] =	ssyncset.done $0x0  }
0x58: {  	[sflag:s19] =	ssyncadd.s32 $0xFFFFC000  }
0x59: {  	_ =	swait.ge [sflag:s20], $0x4000  }
0x5a: {  	[sflag:s20] =	ssyncset.done $0x0  }
0x5b: {  	[sflag:s20] =	ssyncadd.s32 $0xFFFFC000  }
0x5c: {  	[tilespmem:s16], [sflag:$0x1] =	stream.indirect.gather [hbm4b:s5+s15], $0x80, s21, s15, $0xb8;
	[tilespmem:$0x1E800] =	vst v63  }
0x5d: {  	s24 =	simm.s32 $0x800  }
0x5e: {  	[spmem:s3] =	stream.indirect.scatter.add.f32 [tilespmem:s17], [sflag:$0x3], $0x80, s22, s15, $0xb8;
	[tilespmem:$0x1E800] =	vst v63  }
.LBB2_5:
0x5f: {  	_ =	swait.ge [sflag:s20], $0x4000  }
0x60: {  	s25 =	sshra.s32 s24, $0x2;
	[sflag:s20] =	ssyncset.done $0x0  }
0x61: {  	s26 =	sadd.s32 $0xFFFFFF80, s25;
	[sflag:s20] =	ssyncadd.s32 $0xFFFFC000  }
0x62: {  	[tilespmem:s17], [sflag:$0x2] =	stream.indirect.gather [hbm4b:s5+s15], $0x80, s26, s15, $0xb8;
	[tilespmem:$0x1E800] =	vst v63  }
0x63: {  	_ =	swait.ge [sflag:s18], $0x4000  }
0x64: {  	[sflag:s18] =	ssyncset.done $0x0  }
0x65: {  	s31 =	sadd.s32 $0x1300, s25;
	[sflag:s18] =	ssyncadd.s32 $0xFFFFC000  }
0x66: {  	[spmem:s3] =	stream.indirect.scatter.add.f32 [tilespmem:s16], [sflag:$0x3], $0x80, s31, s15, $0xb8;
	[tilespmem:$0x1E800] =	vst v63  }
0x67: {  	p0 =	seq.s32 s24, $0x5000;
	_ =	swait.ge [sflag:s19], $0x4000  }
.Ltmp4:
0x68: {  	[sflag:s19] =	ssyncset.done $0x0;
	(pc) =	sbr.rel @p0 .LBB2_7-.Ltmp4, $4  }
0x69: {  	[sflag:s19] =	ssyncadd.s32 $0xFFFFC000  }
0x6a: {  	_ =	swait.ge [sflag:s20], $0x4000  }
0x6b: {  	[sflag:s20] =	ssyncset.done $0x0  }
0x6c: {  	s26 =	sadd.s32 $0x1380, s25;
	[sflag:s20] =	ssyncadd.s32 $0xFFFFC000  }
.Ltmp5:
0x6d: {  	(pc) =	sbr.rel .LBB2_5-.Ltmp5, $4  }
0x6e: {  	_ = 	snop  }
0x6f: {  	[tilespmem:s16], [sflag:$0x1] =	stream.indirect.gather [hbm4b:s5+s15], $0x80, s25, s15, $0xb8;
	[tilespmem:$0x1E800] =	vst v63  }
0x70: {  	s24 =	sadd.s32 $0x400, s24  }
0x71: {  	[spmem:s3] =	stream.indirect.scatter.add.f32 [tilespmem:s17], [sflag:$0x3], $0x80, s26, s15, $0xb8;
	[tilespmem:$0x1E800] =	vst v63  }
.LBB2_8:
0x72: {  	_ =	sfence.sel $0x180000  }
0x73: {  	[bflag:$0x0] =	sbarrier.arrive $0xFFFF  }
0x74: {  	p0 =	sne.s32 s1, $0x0;
	_ =	strace $0x9000004A  }
0x75: {  	s0 =	sadd.s32 @!p0 $0x100000, s0;
	[bflag:$0x2] =	sbarrier.arrive $0xFFFF  }
0x76: {  	[sflag:s0] =	ssyncadd.tile.s32 @!p0 $0x1;
	_ =	shalt  }
.Lfunc_end2:
_tile_overlayer_lowered:
.L_overlay_start_2:
0x77: {  	(tag) =	ssettag $0x2  }
0x78: {  	s0 =	rddreg [dreg:$0x0];
	s2 =	stileid.u32  }
0x79: {  	s1 =	rddreg [dreg:$0x1];
	p0 =	sne.s32 s2, $0x0  }
0x7a: {  	s3 =	rddreg [dreg:$0x2];
	[bflag:$0x3] =	sbarrier.arrive $0xFFFF;
	s2 =	simm.s32 @!p0 $0x1C04  }
0x7b: {  	[timem:s3], [sflag:s2] =	dma.local @!p0 [hbm:s0], s1  }
0x7c: {  	s0 =	simm.s32 @!p0 $0x4  }
0x7d: {  	_ =	swait.ge @!p0 [sflag:s0], s1  }
0x7e: {  	s1 =	ssub.s32 @!p0 $0x0, s1;
	[sflag:s0] =	ssyncset.done @!p0 $0x0  }
0x7f: {  	[sflag:s0] =	ssyncadd.s32 @!p0 s1  }
0x80: {  	[bflag:$0x3] =	sbarrier.arrive $0xFFFF  }
0x81: {  	_ =	shalt  }

// kernel: kernel.14.cloned.1.call-start
scs
__scs_entry_jumppad:
0x0: {  	(pc) =	sbr.rel $0x88, $3  }
0x1: {  	(tag) =	ssettag $0x0;
	lr =	simm.s32 $0x1  }
0x2: {  	[smem:$0x3F99] =	sst lr;
	_ =	strace $0xD0000000  }
0x3: {  	_ = 	snop  }
0x4: {  	_ = 	snop  }
0x5: {  	_ = 	snop  }
0x6: {  	_ = 	snop  }
0x7: {  	_ = 	snop  }
__scs_overlays_trampoline_lowered:
0x8: {  	[smem:$0x3FA8] =	sst s0  }
0x9: {  	[smem:$0x3FA9] =	sst s1  }
0xa: {  	[smem:$0x3FAA] =	sst s2  }
0xb: {  	[smem:$0x3FAB] =	sst s3  }
0xc: {  	[smem:$0x3FAC] =	sst s4  }
0xd: {  	[smem:$0x3FAD] =	sst s5  }
0xe: {  	[smem:$0x3FAE] =	sst s6  }
0xf: {  	[smem:$0x3FAF] =	sst s7  }
0x10: {  	[smem:$0x3FB0] =	sst s8  }
0x11: {  	[smem:$0x3FB1] =	sst s9;
	s0 =	simm.s32 @!p0 $0x0  }
0x12: {  	s1 =	sld [smem:$0x3F97];
	s0 =	simm.s32 @p0 $0x1  }
0x13: {  	[smem:$0x3FB2] =	sst s0;
	s0 =	simm.s32 @!p1 $0x0  }
0x14: {  	s2 =	sld [smem:$0x3F96];
	s0 =	simm.s32 @p1 $0x1  }
0x15: {  	[smem:$0x3FB3] =	sst s0;
	s0 =	simm.s32 @!p2 $0x0  }
0x16: {  	s3 =	sld [smem:$0x3FDB];
	s0 =	simm.s32 @p2 $0x1  }
0x17: {  	s4 =	simm.s32 $0x1BF5;
	[smem:$0x3FB5] =	sst s0  }
0x18: {  	s0 =	sld [smem:$0x3F98];
	_ =	swait.ge [sflag:s4], $0x0  }
0x19: {  	s7 =	sld [smem:$0x3F99]  }
0x1a: {  	s8 =	sadd.s32 $0xFFFFE003, lr  }
0x1b: {  	s9 =	sadd.s32 $0xFFFFFEF7, lr;
	s5 =	simm.s32 $0xFFFFFFFF;
	p2 =	slt.u32 s8, $0xFFFFF086  }
0x1c: {  	p1 =	slt.u32 s9, $0xF7A;
	s5 =	simm.s32 @!p2 $0x0  }
0x1d: {  	s5 =	simm.s32 @p1 $0x1;
	p0 =	seq.s32 s7, s2  }
0x1e: {  	s7 =	smul.u32 @!p0 $0xF7A, s2;
	p2 =	seq.s32 @!p0 s5, $0x0  }
0x1f: {  	s9 =	smul.u32 $0xF7A, s1;
	s8 =	simm.s32 @!p0 $0x1BF5;
	p2 =	por !p2, p0  }
0x20: {  	[sflag:s8] =	ssyncset.s32 @!p0 $0xFFFFF086;
	s6 =	sadd.s32 @!p0 s3, s7;
	s7 =	simm.s32 @!p0 $0x108  }
0x21: {  	s3 =	sadd.s32 s3, s9;
	s6 =	sadd.s32 @!p0 $0x88, s6;
	s7 =	simm.s32 @p2 $0x1082  }
0x22: {  	[simem:s7], [sflag:s8] =	dma.local @!p0 [hbm:s6], $0xF7A  }
0x23: {  	s9 =	sor.u32 $0xD0000000, s2;
	s6 =	simm.s32 $0x108;
	_ =	swait.ge @!p0 [sflag:s8], $0x0  }
0x24: {  	s3 =	sadd.s32 $0x88, s3;
	s6 =	simm.s32 @!p1 $0x1082;
	[sflag:s4] =	ssyncset.s32 $0xFFFFF086  }
0x25: {  	[simem:s6], [sflag:s4] =	dma.local [hbm:s3], $0xF7A  }
0x26: {  	[smem:$0x3F99] =	sst s1;
	(tag) =	ssettag s2;
	_ =	strace s9  }
0x27: {  	s1 =	sld [smem:$0x3FA9]  }
0x28: {  	s2 =	sld [smem:$0x3FAA]  }
0x29: {  	s4 =	sld [smem:$0x3FAC]  }
0x2a: {  	p0 =	seq.s32 s5, $0x0;
	s5 =	sld [smem:$0x3FAD]  }
0x2b: {  	s6 =	sld [smem:$0x3FAE]  }
0x2c: {  	s7 =	sld [smem:$0x3FAF]  }
0x2d: {  	s3 =	simm.s32 $0x108;
	s8 =	sld [smem:$0x3FB0]  }
0x2e: {  	s3 =	simm.s32 @!p0 $0x1082;
	s9 =	sld [smem:$0x3FB1]  }
0x2f: {  	lr =	sadd.s32 s0, s3;
	s0 =	sld [smem:$0x3FA8]  }
0x30: {  	s3 =	sld [smem:$0x3FAB]  }
0x31: {  	[smem:$0x3FB4] =	sst s10  }
0x32: {  	s10 =	sld [smem:$0x3FB2];
	_ =	sdelay $0x3  }
0x33: {  	p0 =	seq.s32 s10, $0x1;
	s10 =	sld [smem:$0x3FB4];
	_ =	sdelay $0x3  }
0x34: {  	[smem:$0x3FB4] =	sst s10  }
0x35: {  	s10 =	sld [smem:$0x3FB3];
	_ =	sdelay $0x3  }
0x36: {  	p1 =	seq.s32 s10, $0x1;
	s10 =	sld [smem:$0x3FB4];
	_ =	sdelay $0x3  }
0x37: {  	[smem:$0x3FB4] =	sst s10  }
0x38: {  	s10 =	sld [smem:$0x3FB5]  }
0x39: {  	_ = 	snop;
	(pc) =	sbr.ind lr, $3  }
0x3a: {  	_ = 	snop  }
0x3b: {  	_ = 	snop  }
0x3c: {  	p2 =	seq.s32 s10, $0x1;
	s10 =	sld [smem:$0x3FB4]  }
0x3d: {  	_ =	shalt  }
0x3e: {  	_ =	shalt  }
0x3f: {  	_ =	shalt  }
0x40: {  	_ =	shalt  }
0x41: {  	_ =	shalt  }
0x42: {  	_ =	shalt  }
0x43: {  	_ =	shalt  }
0x44: {  	_ =	shalt  }
0x45: {  	_ =	shalt  }
0x46: {  	_ =	shalt  }
0x47: {  	_ =	shalt  }
0x48: {  	_ =	shalt  }
0x49: {  	_ =	shalt  }
0x4a: {  	_ =	shalt  }
0x4b: {  	_ =	shalt  }
0x4c: {  	_ =	shalt  }
0x4d: {  	_ =	shalt  }
0x4e: {  	_ =	shalt  }
0x4f: {  	_ =	shalt  }
0x50: {  	_ =	shalt  }
0x51: {  	_ =	shalt  }
0x52: {  	_ =	shalt  }
0x53: {  	_ =	shalt  }
0x54: {  	_ =	shalt  }
0x55: {  	_ =	shalt  }
0x56: {  	_ =	shalt  }
0x57: {  	_ =	shalt  }
0x58: {  	_ =	shalt  }
0x59: {  	_ =	shalt  }
0x5a: {  	_ =	shalt  }
0x5b: {  	_ =	shalt  }
0x5c: {  	_ =	shalt  }
0x5d: {  	_ =	shalt  }
0x5e: {  	_ =	shalt  }
0x5f: {  	_ =	shalt  }
0x60: {  	_ =	shalt  }
0x61: {  	_ =	shalt  }
0x62: {  	_ =	shalt  }
0x63: {  	_ =	shalt  }
0x64: {  	_ =	shalt  }
0x65: {  	_ =	shalt  }
0x66: {  	_ =	shalt  }
0x67: {  	_ =	shalt  }
0x68: {  	_ =	shalt  }
0x69: {  	_ =	shalt  }
0x6a: {  	_ =	shalt  }
0x6b: {  	_ =	shalt  }
0x6c: {  	_ =	shalt  }
0x6d: {  	_ =	shalt  }
0x6e: {  	_ =	shalt  }
0x6f: {  	_ =	shalt  }
0x70: {  	_ =	shalt  }
0x71: {  	_ =	shalt  }
0x72: {  	_ =	shalt  }
0x73: {  	_ =	shalt  }
0x74: {  	_ =	shalt  }
0x75: {  	_ =	shalt  }
0x76: {  	_ =	shalt  }
0x77: {  	_ =	shalt  }
0x78: {  	_ =	shalt  }
0x79: {  	_ =	shalt  }
0x7a: {  	_ =	shalt  }
0x7b: {  	_ =	shalt  }
0x7c: {  	_ =	shalt  }
0x7d: {  	_ =	shalt  }
0x7e: {  	_ =	shalt  }
0x7f: {  	_ =	shalt  }
0x80: {  	_ =	shalt  }
0x81: {  	_ =	shalt  }
0x82: {  	_ =	shalt  }
0x83: {  	_ =	shalt  }
0x84: {  	_ =	shalt  }
0x85: {  	_ =	shalt  }
0x86: {  	_ =	shalt  }
0x87: {  	_ =	shalt  }
.Lfunc_end0:
.L_simem_size_0:
called_computation.2_lowered:
.L_overlay_start_0:
0x88: {  	s2 =	sld [smem:$0x3FD9]  }
0x89: {  	s3 =	sld [smem:$0x3FFE];
	_ =	sdelay $0x1  }
0x8a: {  	s1 =	srdreg.scid  }
0x8b: {  	s0 =	sand.u32 $0x1, s1  }
0x8c: {  	s14 =	sshll.u32 s0, $0xA;
	s2 =	sadd.s32 s3, s2  }
0x8d: {  	s2 =	sadd.s32 s2, s14  }
0x8e: {  	[smem:$0x3FC0] =	sst s2  }
0x8f: {  	_ = 	snop  }
0x90: {  	s2 =	sld [smem:$0x3FD0];
	_ =	sdelay $0x2  }
0x91: {  	s15 =	simm.s32 $0xA;
	s4 =	simm.s32 $0x10  }
0x92: {  	[smem:s4], [sflag:s15] =	dma.local [hbm:s2], $0x1  }
0x93: {  	_ =	swait.eq [sflag:s15], $0x1  }
0x94: {  	[sflag:s15] =	ssyncset.done $0x0  }
0x95: {  	[sflag:s15] =	ssyncadd.s32 $0xFFFFFFFF  }
0x96: {  	s16 =	sld [smem:$0x11];
	(tm) =	ssettm $0x1  }
0x97: {  	s17 =	sld [smem:$0x3FFB];
	_ =	sdelay $0x3  }
0x98: {  	_ =	strace s17  }
0x99: {  	s3 =	sld [smem:$0x3FFC];
	_ =	sdelay $0x3  }
0x9a: {  	_ =	strace s3  }
0x9b: {  	s3 =	sld [smem:$0x3FFD];
	_ =	sdelay $0x3  }
0x9c: {  	_ =	strace s3  }
0x9d: {  	_ =	strace $0x8FFFFFFF  }
0x9e: {  	s18 =	sld [smem:$0x3FDB];
	_ =	sdelay $0x1  }
0x9f: {  	s19 =	simm.s32 $_scs_section_size  }
0xa0: {  	s5 =	simm.s32 $_size__tile_overlayer_lowered;
	s6 =	simm.s32 $_tile_overlayer_lowered  }
0xa1: {  	s22 =	simm.s32 $0x1BFF;
	s21 =	sshll.u32 s6, $0x1;
	s3 =	sadd.s32 s19, s18  }
0xa2: {  	s7 =	simm.s32 $0x0;
	s20 =	sshll.u32 s5, $0x1;
	s5 =	sadd.s32 s21, s3  }
0xa3: {  	[timem:s7], [sflag:s22] =	dma.local [hbm:s5], s20  }
0xa4: {  	_ =	swait.ge [sflag:s22], s20  }
0xa5: {  	s4 =	ssub.s32 $0x0, s20;
	[sflag:s22] =	ssyncset.done $0x0  }
0xa6: {  	[sflag:s22] =	ssyncadd.s32 s4;
	_ =	sdelay $0x1  }
0xa7: {  	s23 =	simm.s32 $0x1B8B  }
0xa8: {  	_ =	swait.ge [sflag:s23], $0x1  }
0xa9: {  	[sflag:s23] =	ssyncset.done $0x0  }
0xaa: {  	s25 =	simm.s32 $0x1B8E;
	s24 =	sld [smem:$0x3FFE];
	[sflag:s23] =	ssyncadd.s32 $0xFFFFFFFF  }
0xab: {  	s26 =	simm.s32 $execute0_lowered;
	[smem:$0x3FD2] =	sst s25  }
0xac: {  	s5 =	sshll.u32 s26, $0x1;
	_ =	strace $0x8000004C;
	[dreg:$0x1] =	wrdreg $0xFFFFFFFF  }
0xad: {  	s28 =	simm.s32 $_size_execute0_lowered;
	s3 =	sadd.s32 s3, s5;
	[dreg:$0x0] =	wrdreg $0x0  }
0xae: {  	s5 =	sshll.u32 s28, $0x1;
	[dreg:$0x2] =	wrdreg s3  }
0xaf: {  	[dreg:$0x3] =	wrdreg s5  }
0xb0: {  	[dreg:$0x4] =	wrdreg $0xC0  }
0xb1: {  	_ =	task [dreg:s7], $0x5FFFF  }
0xb2: {  	[dreg:$0x1] =	wrdreg $0xFFFFFFFF  }
0xb3: {  	[dreg:$0x0] =	wrdreg $0x60  }
0xb4: {  	[dreg:$0x2] =	wrdreg s24  }
0xb5: {  	[dreg:$0x3] =	wrdreg s16  }
0xb6: {  	[dreg:$0x4] =	wrdreg $0xA8000  }
0xb7: {  	[dreg:$0x5] =	wrdreg $0x9  }
0xb8: {  	_ =	task.clear_ibuf [dreg:s7], $0x6FFFF;
	_ =	strace $0x9000004C  }
0xb9: {  	s29 =	simm.s32 $0x9;
	_ =	strace $0x8000004E  }
0xba: {  	_ =	swait.ge [sflag:s29], $0x1  }
0xbb: {  	[sflag:s29] =	ssyncadd.s32 $0xFFFFFFFF  }
0xbc: {  	_ =	strace $0x9000004E  }
0xbd: {  	_ =	sfence  }
0xbe: {  	s30 =	sld [smem:$0x0];
	_ =	sdelay $0x2  }
0xbf: {  	s31 =	sshll.u32 s1, $0xD;
	s1 =	sshrl.u32 s1, $0x2  }
0xc0: {  	s3 =	sand.u32 $0x4000, s31;
	s1 =	sadd.s32 s1, s30  }
0xc1: {  	s0 =	sor.u32 s3, s0;
	s1 =	sshll.u32 s1, $0x11  }
0xc2: {  	s0 =	sor.u32 s1, s0  }
0xc3: {  	s0 =	sadd.s32 $0x8F2B, s0  }
0xc4: {  	[sflag:s0] =	ssyncadd.remote.s32 $0x1  }
0xc5: {  	_ =	sfence.sel $0xFFFF  }
0xc6: {  	[dreg:$0x0] =	wrdreg $0xFFFFFFFF;
	(pc) =	sbr.abs _section_cstart, $3  }
0xc7: {  	[dreg:$0x1] =	wrdreg $0xFFFFFFFF  }
0xc8: {  	_ =	task.clear_ibuf [dreg:s7], $0x2FFFF;
	_ =	strace $0x9FFFFFFF  }
0xc9: {  	(tm) =	ssettm $0x7FFFFFFF  }
tec
execute0_lowered:
.L_overlay_start_1:
0x0: {  	(tag) =	ssettag $0x1  }
0x1: {  	s6 =	rddreg [dreg:$0x0]  }
0x2: {  	s2 =	rddreg [dreg:$0x1]  }
0x3: {  	s3 =	rddreg [dreg:$0x2];
	s4 =	srdreg.scid  }
0x4: {  	s0 =	rddreg [dreg:$0x3];
	s1 =	stileid.u32;
	s13 =	simm.s32 $0x1400  }
0x5: {  	s14 =	simm.s32 $0x50000;
	s15 =	simm.s32 $0x80;
	s16 =	simm.s32 $0x2800  }
0x6: {  	s17 =	simm.s32 $0x6800;
	s18 =	simm.s32 $0x1;
	s19 =	simm.s32 $0x2  }
0x7: {  	s20 =	simm.s32 $0x3;
	s21 =	simm.s32 $0x100;
	s22 =	simm.s32 $0x1480  }
0x8: {  	s23 =	simm.s32 $0x0;
	s7 =	sand.u32 $0x1, s4;
	s9 =	smul.u32 $0xA000, s1  }
0x9: {  	s4 =	simm.s32 $0x0;
	s5 =	sshll.u32 s1, $0x1;
	s29 =	smul.u32 $0x28000, s1  }
0xa: {  	s31 =	sshll.u32 s1, $0x6;
	s8 =	smul.u32 $0x140000, s7;
	[smem:$0x7FF] =	sst s4  }
0xb: {  	s5 =	sor.u32 s7, s5;
	s7 =	ssub.s32 $0x2, s7;
	_ =	strace $0x8000004D  }
0xc: {  	s10 =	smul.u32 $0x500, s5;
	s5 =	sadd.s32 $0x16C00, s6;
	s30 =	sshrl.u32 s7, $0x1  }
.Ltmp0:
0xd: {  	s8 =	sadd.s32 s9, s8;
	s9 =	sshrl.u32 s29, $0x2;
	(pc) =	sbr.rel .LBB2_1-.Ltmp0, $4  }
0xe: {  	s11 =	ssub.s32 s7, s30;
	s10 =	sadd.s32 s10, s6;
	s8 =	sshrl.u32 s8, $0x3  }
0xf: {  	s12 =	sadd.s32 s9, s3;
	s8 =	sadd.s32 s8, s6;
	s6 =	sor.u32 $0x1C04, s31  }
0x10: {  	s9 =	sadd.s32 $0x2C00, s10;
	s10 =	sadd.s32 $0x2E80, s10;
	s7 =	sadd.s32 $0x3DE00, s8  }
0x11: {  	s8 =	smax.u32 s11, $0x1;
	s11 =	sshrl.u32 s12, $0x3;
	s12 =	simm.s32 $0x4  }
.LBB2_7:
0x12: {  	[spmem:s3] =	stream.indirect.scatter.add.f32 [tilespmem:s17], [sflag:$0x3], $0x80, s26, s15, $0xb8;
	[tilespmem:$0x1E800] =	vst v63  }
0x13: {  	_ =	swait.ge [sflag:s20], $0x4000  }
0x14: {  	s23 =	sadd.s32 $0x1, s23;
	[sflag:s20] =	ssyncset.done $0x0  }
0x15: {  	p0 =	sne.s32 s23, s8;
	[sflag:s20] =	ssyncadd.s32 $0xFFFFC000  }
.Ltmp1:
0x16: {  	[bflag:$0x0] =	sbarrier.arrive $0xFFFF;
	(pc) =	sbr.rel @!p0 .LBB2_8-.Ltmp1, $4  }
0x17: {  	[hbm:s7], [sflag:s6] =	dma.local [spmem:s11], $0x1400  }
0x18: {  	_ =	swait.ge [sflag:s12], $0x1400  }
0x19: {  	[sflag:s12] =	ssyncset.done $0x0  }
0x1a: {  	[sflag:s12] =	ssyncadd.s32 $0xFFFFEC00  }
.LBB2_1:
0x1b: {  	[spmem:s11], [sflag:s6] =	dma.local [hbm:s2], $0x1400  }
0x1c: {  	_ =	swait.ge [sflag:s12], $0x1400  }
0x1d: {  	[sflag:s12] =	ssyncset.done $0x0  }
0x1e: {  	[sflag:s12] =	ssyncadd.s32 $0xFFFFEC00  }
0x1f: {  	[bflag:$0x0] =	sbarrier.arrive $0xFFFF  }
0x20: {  	[tilespmem:s4], [sflag:$0x4] =	stream.strided.gather [hbm4b:s9+s13], $0x2800, s14, s13, $0x38;
	[tilespmem:$0x1E800] =	vst v63  }
0x21: {  	_ =	swait.ge [sflag:s12], $0x2800  }
0x22: {  	[sflag:s12] =	ssyncset.done $0x0  }
0x23: {  	[sflag:s12] =	ssyncadd.s32 $0xFFFFD800  }
0x24: {  	[tilespmem:s16], [sflag:$0x1] =	stream.indirect.gather [hbm4b:s5+s15], $0x80, s4, s15, $0xb8;
	[tilespmem:$0x1E800] =	vst v63  }
0x25: {  	_ = 	snop  }
0x26: {  	[tilespmem:s17], [sflag:$0x2] =	stream.indirect.gather [hbm4b:s5+s15], $0x80, s15, s15, $0xb8;
	[tilespmem:$0x1E800] =	vst v63  }
0x27: {  	_ =	swait.ge [sflag:s18], $0x4000  }
0x28: {  	[sflag:s18] =	ssyncset.done $0x0  }
0x29: {  	[sflag:s18] =	ssyncadd.s32 $0xFFFFC000  }
0x2a: {  	[spmem:s3] =	stream.indirect.scatter.add.f32 [tilespmem:s16], [sflag:$0x3], $0x80, s13, s15, $0xb8;
	[tilespmem:$0x1E800] =	vst v63  }
0x2b: {  	_ =	swait.ge [sflag:s19], $0x4000  }
0x2c: {  	[sflag:s19] =	ssyncset.done $0x0  }
0x2d: {  	[sflag:s19] =	ssyncadd.s32 $0xFFFFC000  }
0x2e: {  	_ =	swait.ge [sflag:s20], $0x4000  }
0x2f: {  	[sflag:s20] =	ssyncset.done $0x0  }
0x30: {  	[sflag:s20] =	ssyncadd.s32 $0xFFFFC000  }
0x31: {  	[tilespmem:s16], [sflag:$0x1] =	stream.indirect.gather [hbm4b:s5+s15], $0x80, s21, s15, $0xb8;
	[tilespmem:$0x1E800] =	vst v63  }
0x32: {  	s24 =	simm.s32 $0x800  }
0x33: {  	[spmem:s3] =	stream.indirect.scatter.add.f32 [tilespmem:s17], [sflag:$0x3], $0x80, s22, s15, $0xb8;
	[tilespmem:$0x1E800] =	vst v63  }
.LBB2_2:
0x34: {  	_ =	swait.ge [sflag:s20], $0x4000  }
0x35: {  	s25 =	sshra.s32 s24, $0x2;
	[sflag:s20] =	ssyncset.done $0x0  }
0x36: {  	s26 =	sadd.s32 $0xFFFFFF80, s25;
	[sflag:s20] =	ssyncadd.s32 $0xFFFFC000  }
0x37: {  	[tilespmem:s17], [sflag:$0x2] =	stream.indirect.gather [hbm4b:s5+s15], $0x80, s26, s15, $0xb8;
	[tilespmem:$0x1E800] =	vst v63  }
0x38: {  	_ =	swait.ge [sflag:s18], $0x4000  }
0x39: {  	[sflag:s18] =	ssyncset.done $0x0  }
0x3a: {  	s31 =	sadd.s32 $0x1300, s25;
	[sflag:s18] =	ssyncadd.s32 $0xFFFFC000  }
0x3b: {  	[spmem:s3] =	stream.indirect.scatter.add.f32 [tilespmem:s16], [sflag:$0x3], $0x80, s31, s15, $0xb8;
	[tilespmem:$0x1E800] =	vst v63  }
0x3c: {  	p0 =	seq.s32 s24, $0x5000;
	_ =	swait.ge [sflag:s19], $0x4000  }
.Ltmp2:
0x3d: {  	[sflag:s19] =	ssyncset.done $0x0;
	(pc) =	sbr.rel @p0 .LBB2_4-.Ltmp2, $4  }
0x3e: {  	[sflag:s19] =	ssyncadd.s32 $0xFFFFC000  }
0x3f: {  	_ =	swait.ge [sflag:s20], $0x4000  }
0x40: {  	[sflag:s20] =	ssyncset.done $0x0  }
0x41: {  	s26 =	sadd.s32 $0x1380, s25;
	[sflag:s20] =	ssyncadd.s32 $0xFFFFC000  }
.Ltmp3:
0x42: {  	(pc) =	sbr.rel .LBB2_2-.Ltmp3, $4  }
0x43: {  	_ = 	snop  }
0x44: {  	[tilespmem:s16], [sflag:$0x1] =	stream.indirect.gather [hbm4b:s5+s15], $0x80, s25, s15, $0xb8;
	[tilespmem:$0x1E800] =	vst v63  }
0x45: {  	s24 =	sadd.s32 $0x400, s24  }
0x46: {  	[spmem:s3] =	stream.indirect.scatter.add.f32 [tilespmem:s17], [sflag:$0x3], $0x80, s26, s15, $0xb8;
	[tilespmem:$0x1E800] =	vst v63  }
.LBB2_4:
0x47: {  	[spmem:s3] =	stream.indirect.scatter.add.f32 [tilespmem:s17], [sflag:$0x3], $0x80, s26, s15, $0xb8;
	[tilespmem:$0x1E800] =	vst v63  }
0x48: {  	_ =	swait.ge [sflag:s20], $0x4000  }
0x49: {  	[sflag:s20] =	ssyncset.done $0x0  }
0x4a: {  	[sflag:s20] =	ssyncadd.s32 $0xFFFFC000  }
0x4b: {  	[tilespmem:s4], [sflag:$0x4] =	stream.strided.gather [hbm4b:s10+s13], $0x2800, s14, s13, $0x38;
	[tilespmem:$0x1E800] =	vst v63  }
0x4c: {  	_ =	swait.ge [sflag:s12], $0x2800  }
0x4d: {  	[sflag:s12] =	ssyncset.done $0x0  }
0x4e: {  	[sflag:s12] =	ssyncadd.s32 $0xFFFFD800  }
0x4f: {  	[tilespmem:s16], [sflag:$0x1] =	stream.indirect.gather [hbm4b:s5+s15], $0x80, s4, s15, $0xb8;
	[tilespmem:$0x1E800] =	vst v63  }
0x50: {  	_ = 	snop  }
0x51: {  	[tilespmem:s17], [sflag:$0x2] =	stream.indirect.gather [hbm4b:s5+s15], $0x80, s15, s15, $0xb8;
	[tilespmem:$0x1E800] =	vst v63  }
0x52: {  	_ =	swait.ge [sflag:s18], $0x4000  }
0x53: {  	[sflag:s18] =	ssyncset.done $0x0  }
0x54: {  	[sflag:s18] =	ssyncadd.s32 $0xFFFFC000  }
0x55: {  	[spmem:s3] =	stream.indirect.scatter.add.f32 [tilespmem:s16], [sflag:$0x3], $0x80, s13, s15, $0xb8;
	[tilespmem:$0x1E800] =	vst v63  }
0x56: {  	_ =	swait.ge [sflag:s19], $0x4000  }
0x57: {  	[sflag:s19] =	ssyncset.done $0x0  }
0x58: {  	[sflag:s19] =	ssyncadd.s32 $0xFFFFC000  }
0x59: {  	_ =	swait.ge [sflag:s20], $0x4000  }
0x5a: {  	[sflag:s20] =	ssyncset.done $0x0  }
0x5b: {  	[sflag:s20] =	ssyncadd.s32 $0xFFFFC000  }
0x5c: {  	[tilespmem:s16], [sflag:$0x1] =	stream.indirect.gather [hbm4b:s5+s15], $0x80, s21, s15, $0xb8;
	[tilespmem:$0x1E800] =	vst v63  }
0x5d: {  	s24 =	simm.s32 $0x800  }
0x5e: {  	[spmem:s3] =	stream.indirect.scatter.add.f32 [tilespmem:s17], [sflag:$0x3], $0x80, s22, s15, $0xb8;
	[tilespmem:$0x1E800] =	vst v63  }
.LBB2_5:
0x5f: {  	_ =	swait.ge [sflag:s20], $0x4000  }
0x60: {  	s25 =	sshra.s32 s24, $0x2;
	[sflag:s20] =	ssyncset.done $0x0  }
0x61: {  	s26 =	sadd.s32 $0xFFFFFF80, s25;
	[sflag:s20] =	ssyncadd.s32 $0xFFFFC000  }
0x62: {  	[tilespmem:s17], [sflag:$0x2] =	stream.indirect.gather [hbm4b:s5+s15], $0x80, s26, s15, $0xb8;
	[tilespmem:$0x1E800] =	vst v63  }
0x63: {  	_ =	swait.ge [sflag:s18], $0x4000  }
0x64: {  	[sflag:s18] =	ssyncset.done $0x0  }
0x65: {  	s31 =	sadd.s32 $0x1300, s25;
	[sflag:s18] =	ssyncadd.s32 $0xFFFFC000  }
0x66: {  	[spmem:s3] =	stream.indirect.scatter.add.f32 [tilespmem:s16], [sflag:$0x3], $0x80, s31, s15, $0xb8;
	[tilespmem:$0x1E800] =	vst v63  }
0x67: {  	p0 =	seq.s32 s24, $0x5000;
	_ =	swait.ge [sflag:s19], $0x4000  }
.Ltmp4:
0x68: {  	[sflag:s19] =	ssyncset.done $0x0;
	(pc) =	sbr.rel @p0 .LBB2_7-.Ltmp4, $4  }
0x69: {  	[sflag:s19] =	ssyncadd.s32 $0xFFFFC000  }
0x6a: {  	_ =	swait.ge [sflag:s20], $0x4000  }
0x6b: {  	[sflag:s20] =	ssyncset.done $0x0  }
0x6c: {  	s26 =	sadd.s32 $0x1380, s25;
	[sflag:s20] =	ssyncadd.s32 $0xFFFFC000  }
.Ltmp5:
0x6d: {  	(pc) =	sbr.rel .LBB2_5-.Ltmp5, $4  }
0x6e: {  	_ = 	snop  }
0x6f: {  	[tilespmem:s16], [sflag:$0x1] =	stream.indirect.gather [hbm4b:s5+s15], $0x80, s25, s15, $0xb8;
	[tilespmem:$0x1E800] =	vst v63  }
0x70: {  	s24 =	sadd.s32 $0x400, s24  }
0x71: {  	[spmem:s3] =	stream.indirect.scatter.add.f32 [tilespmem:s17], [sflag:$0x3], $0x80, s26, s15, $0xb8;
	[tilespmem:$0x1E800] =	vst v63  }
.LBB2_8:
0x72: {  	_ =	sfence.sel $0x180000  }
0x73: {  	[bflag:$0x0] =	sbarrier.arrive $0xFFFF  }
0x74: {  	p0 =	sne.s32 s1, $0x0;
	_ =	strace $0x9000004D  }
0x75: {  	s0 =	sadd.s32 @!p0 $0x100000, s0;
	[bflag:$0x2] =	sbarrier.arrive $0xFFFF  }
0x76: {  	[sflag:s0] =	ssyncadd.tile.s32 @!p0 $0x1;
	_ =	shalt  }
.Lfunc_end2:
_tile_overlayer_lowered:
.L_overlay_start_2:
0x77: {  	(tag) =	ssettag $0x2  }
0x78: {  	s0 =	rddreg [dreg:$0x0];
	s2 =	stileid.u32  }
0x79: {  	s1 =	rddreg [dreg:$0x1];
	p0 =	sne.s32 s2, $0x0  }
0x7a: {  	s3 =	rddreg [dreg:$0x2];
	[bflag:$0x3] =	sbarrier.arrive $0xFFFF;
	s2 =	simm.s32 @!p0 $0x1C04  }
0x7b: {  	[timem:s3], [sflag:s2] =	dma.local @!p0 [hbm:s0], s1  }
0x7c: {  	s0 =	simm.s32 @!p0 $0x4  }
0x7d: {  	_ =	swait.ge @!p0 [sflag:s0], s1  }
0x7e: {  	s1 =	ssub.s32 @!p0 $0x0, s1;
	[sflag:s0] =	ssyncset.done @!p0 $0x0  }
0x7f: {  	[sflag:s0] =	ssyncadd.s32 @!p0 s1  }
0x80: {  	[bflag:$0x3] =	sbarrier.arrive $0xFFFF  }
0x81: {  	_ =	shalt  }

// kernel: kernel.8.cloned.1.call-start
scs
__scs_entry_jumppad:
0x0: {  	(pc) =	sbr.rel $0x88, $3  }
0x1: {  	(tag) =	ssettag $0x0;
	lr =	simm.s32 $0x1  }
0x2: {  	[smem:$0x3F99] =	sst lr;
	_ =	strace $0xD0000000  }
0x3: {  	_ = 	snop  }
0x4: {  	_ = 	snop  }
0x5: {  	_ = 	snop  }
0x6: {  	_ = 	snop  }
0x7: {  	_ = 	snop  }
__scs_overlays_trampoline_lowered:
0x8: {  	[smem:$0x3FA8] =	sst s0  }
0x9: {  	[smem:$0x3FA9] =	sst s1  }
0xa: {  	[smem:$0x3FAA] =	sst s2  }
0xb: {  	[smem:$0x3FAB] =	sst s3  }
0xc: {  	[smem:$0x3FAC] =	sst s4  }
0xd: {  	[smem:$0x3FAD] =	sst s5  }
0xe: {  	[smem:$0x3FAE] =	sst s6  }
0xf: {  	[smem:$0x3FAF] =	sst s7  }
0x10: {  	[smem:$0x3FB0] =	sst s8  }
0x11: {  	[smem:$0x3FB1] =	sst s9;
	s0 =	simm.s32 @!p0 $0x0  }
0x12: {  	s1 =	sld [smem:$0x3F97];
	s0 =	simm.s32 @p0 $0x1  }
0x13: {  	[smem:$0x3FB2] =	sst s0;
	s0 =	simm.s32 @!p1 $0x0  }
0x14: {  	s2 =	sld [smem:$0x3F96];
	s0 =	simm.s32 @p1 $0x1  }
0x15: {  	[smem:$0x3FB3] =	sst s0;
	s0 =	simm.s32 @!p2 $0x0  }
0x16: {  	s3 =	sld [smem:$0x3FDB];
	s0 =	simm.s32 @p2 $0x1  }
0x17: {  	s4 =	simm.s32 $0x1BF5;
	[smem:$0x3FB5] =	sst s0  }
0x18: {  	s0 =	sld [smem:$0x3F98];
	_ =	swait.ge [sflag:s4], $0x0  }
0x19: {  	s7 =	sld [smem:$0x3F99]  }
0x1a: {  	s8 =	sadd.s32 $0xFFFFE003, lr  }
0x1b: {  	s9 =	sadd.s32 $0xFFFFFEF7, lr;
	s5 =	simm.s32 $0xFFFFFFFF;
	p2 =	slt.u32 s8, $0xFFFFF086  }
0x1c: {  	p1 =	slt.u32 s9, $0xF7A;
	s5 =	simm.s32 @!p2 $0x0  }
0x1d: {  	s5 =	simm.s32 @p1 $0x1;
	p0 =	seq.s32 s7, s2  }
0x1e: {  	s7 =	smul.u32 @!p0 $0xF7A, s2;
	p2 =	seq.s32 @!p0 s5, $0x0  }
0x1f: {  	s9 =	smul.u32 $0xF7A, s1;
	s8 =	simm.s32 @!p0 $0x1BF5;
	p2 =	por !p2, p0  }
0x20: {  	[sflag:s8] =	ssyncset.s32 @!p0 $0xFFFFF086;
	s6 =	sadd.s32 @!p0 s3, s7;
	s7 =	simm.s32 @!p0 $0x108  }
0x21: {  	s3 =	sadd.s32 s3, s9;
	s6 =	sadd.s32 @!p0 $0x88, s6;
	s7 =	simm.s32 @p2 $0x1082  }
0x22: {  	[simem:s7], [sflag:s8] =	dma.local @!p0 [hbm:s6], $0xF7A  }
0x23: {  	s9 =	sor.u32 $0xD0000000, s2;
	s6 =	simm.s32 $0x108;
	_ =	swait.ge @!p0 [sflag:s8], $0x0  }
0x24: {  	s3 =	sadd.s32 $0x88, s3;
	s6 =	simm.s32 @!p1 $0x1082;
	[sflag:s4] =	ssyncset.s32 $0xFFFFF086  }
0x25: {  	[simem:s6], [sflag:s4] =	dma.local [hbm:s3], $0xF7A  }
0x26: {  	[smem:$0x3F99] =	sst s1;
	(tag) =	ssettag s2;
	_ =	strace s9  }
0x27: {  	s1 =	sld [smem:$0x3FA9]  }
0x28: {  	s2 =	sld [smem:$0x3FAA]  }
0x29: {  	s4 =	sld [smem:$0x3FAC]  }
0x2a: {  	p0 =	seq.s32 s5, $0x0;
	s5 =	sld [smem:$0x3FAD]  }
0x2b: {  	s6 =	sld [smem:$0x3FAE]  }
0x2c: {  	s7 =	sld [smem:$0x3FAF]  }
0x2d: {  	s3 =	simm.s32 $0x108;
	s8 =	sld [smem:$0x3FB0]  }
0x2e: {  	s3 =	simm.s32 @!p0 $0x1082;
	s9 =	sld [smem:$0x3FB1]  }
0x2f: {  	lr =	sadd.s32 s0, s3;
	s0 =	sld [smem:$0x3FA8]  }
0x30: {  	s3 =	sld [smem:$0x3FAB]  }
0x31: {  	[smem:$0x3FB4] =	sst s10  }
0x32: {  	s10 =	sld [smem:$0x3FB2];
	_ =	sdelay $0x3  }
0x33: {  	p0 =	seq.s32 s10, $0x1;
	s10 =	sld [smem:$0x3FB4];
	_ =	sdelay $0x3  }
0x34: {  	[smem:$0x3FB4] =	sst s10  }
0x35: {  	s10 =	sld [smem:$0x3FB3];
	_ =	sdelay $0x3  }
0x36: {  	p1 =	seq.s32 s10, $0x1;
	s10 =	sld [smem:$0x3FB4];
	_ =	sdelay $0x3  }
0x37: {  	[smem:$0x3FB4] =	sst s10  }
0x38: {  	s10 =	sld [smem:$0x3FB5]  }
0x39: {  	_ = 	snop;
	(pc) =	sbr.ind lr, $3  }
0x3a: {  	_ = 	snop  }
0x3b: {  	_ = 	snop  }
0x3c: {  	p2 =	seq.s32 s10, $0x1;
	s10 =	sld [smem:$0x3FB4]  }
0x3d: {  	_ =	shalt  }
0x3e: {  	_ =	shalt  }
0x3f: {  	_ =	shalt  }
0x40: {  	_ =	shalt  }
0x41: {  	_ =	shalt  }
0x42: {  	_ =	shalt  }
0x43: {  	_ =	shalt  }
0x44: {  	_ =	shalt  }
0x45: {  	_ =	shalt  }
0x46: {  	_ =	shalt  }
0x47: {  	_ =	shalt  }
0x48: {  	_ =	shalt  }
0x49: {  	_ =	shalt  }
0x4a: {  	_ =	shalt  }
0x4b: {  	_ =	shalt  }
0x4c: {  	_ =	shalt  }
0x4d: {  	_ =	shalt  }
0x4e: {  	_ =	shalt  }
0x4f: {  	_ =	shalt  }
0x50: {  	_ =	shalt  }
0x51: {  	_ =	shalt  }
0x52: {  	_ =	shalt  }
0x53: {  	_ =	shalt  }
0x54: {  	_ =	shalt  }
0x55: {  	_ =	shalt  }
0x56: {  	_ =	shalt  }
0x57: {  	_ =	shalt  }
0x58: {  	_ =	shalt  }
0x59: {  	_ =	shalt  }
0x5a: {  	_ =	shalt  }
0x5b: {  	_ =	shalt  }
0x5c: {  	_ =	shalt  }
0x5d: {  	_ =	shalt  }
0x5e: {  	_ =	shalt  }
0x5f: {  	_ =	shalt  }
0x60: {  	_ =	shalt  }
0x61: {  	_ =	shalt  }
0x62: {  	_ =	shalt  }
0x63: {  	_ =	shalt  }
0x64: {  	_ =	shalt  }
0x65: {  	_ =	shalt  }
0x66: {  	_ =	shalt  }
0x67: {  	_ =	shalt  }
0x68: {  	_ =	shalt  }
0x69: {  	_ =	shalt  }
0x6a: {  	_ =	shalt  }
0x6b: {  	_ =	shalt  }
0x6c: {  	_ =	shalt  }
0x6d: {  	_ =	shalt  }
0x6e: {  	_ =	shalt  }
0x6f: {  	_ =	shalt  }
0x70: {  	_ =	shalt  }
0x71: {  	_ =	shalt  }
0x72: {  	_ =	shalt  }
0x73: {  	_ =	shalt  }
0x74: {  	_ =	shalt  }
0x75: {  	_ =	shalt  }
0x76: {  	_ =	shalt  }
0x77: {  	_ =	shalt  }
0x78: {  	_ =	shalt  }
0x79: {  	_ =	shalt  }
0x7a: {  	_ =	shalt  }
0x7b: {  	_ =	shalt  }
0x7c: {  	_ =	shalt  }
0x7d: {  	_ =	shalt  }
0x7e: {  	_ =	shalt  }
0x7f: {  	_ =	shalt  }
0x80: {  	_ =	shalt  }
0x81: {  	_ =	shalt  }
0x82: {  	_ =	shalt  }
0x83: {  	_ =	shalt  }
0x84: {  	_ =	shalt  }
0x85: {  	_ =	shalt  }
0x86: {  	_ =	shalt  }
0x87: {  	_ =	shalt  }
.Lfunc_end0:
.L_simem_size_0:
called_computation_lowered:
.L_overlay_start_0:
0x88: {  	s2 =	sld [smem:$0x3FD9]  }
0x89: {  	s3 =	sld [smem:$0x3FFE];
	_ =	sdelay $0x1  }
0x8a: {  	s1 =	srdreg.scid  }
0x8b: {  	s0 =	sand.u32 $0x1, s1  }
0x8c: {  	s14 =	sshll.u32 s0, $0xA;
	s2 =	sadd.s32 s3, s2  }
0x8d: {  	s2 =	sadd.s32 s2, s14  }
0x8e: {  	[smem:$0x3FC0] =	sst s2  }
0x8f: {  	_ = 	snop  }
0x90: {  	s2 =	sld [smem:$0x3FD0];
	_ =	sdelay $0x2  }
0x91: {  	s15 =	simm.s32 $0xA;
	s4 =	simm.s32 $0x10  }
0x92: {  	[smem:s4], [sflag:s15] =	dma.local [hbm:s2], $0x1  }
0x93: {  	_ =	swait.eq [sflag:s15], $0x1  }
0x94: {  	[sflag:s15] =	ssyncset.done $0x0  }
0x95: {  	s16 =	sld [smem:$0x10];
	[sflag:s15] =	ssyncadd.s32 $0xFFFFFFFF  }
0x96: {  	s17 =	sld [smem:$0x11];
	(tm) =	ssettm $0x1  }
0x97: {  	s18 =	sld [smem:$0x3FFB];
	_ =	sdelay $0x3  }
0x98: {  	_ =	strace s18  }
0x99: {  	s4 =	sld [smem:$0x3FFC];
	_ =	sdelay $0x3  }
0x9a: {  	_ =	strace s4  }
0x9b: {  	s4 =	sld [smem:$0x3FFD];
	_ =	sdelay $0x3  }
0x9c: {  	_ =	strace s4  }
0x9d: {  	_ =	strace $0x8FFFFFFF  }
0x9e: {  	s19 =	sld [smem:$0x3FDB];
	_ =	sdelay $0x1  }
0x9f: {  	s5 =	simm.s32 $_scs_section_size  }
0xa0: {  	s6 =	simm.s32 $_size__tile_overlayer_lowered;
	s7 =	simm.s32 $_tile_overlayer_lowered  }
0xa1: {  	s22 =	simm.s32 $0x1BFF;
	s21 =	sshll.u32 s7, $0x1;
	s4 =	sadd.s32 s5, s19  }
0xa2: {  	s8 =	simm.s32 $0x0;
	s20 =	sshll.u32 s6, $0x1;
	s6 =	sadd.s32 s21, s4  }
0xa3: {  	[timem:s8], [sflag:s22] =	dma.local [hbm:s6], s20  }
0xa4: {  	_ =	swait.ge [sflag:s22], s20  }
0xa5: {  	s5 =	ssub.s32 $0x0, s20;
	[sflag:s22] =	ssyncset.done $0x0  }
0xa6: {  	[sflag:s22] =	ssyncadd.s32 s5;
	_ =	sdelay $0x1  }
0xa7: {  	s23 =	simm.s32 $0x1B8B  }
0xa8: {  	_ =	swait.ge [sflag:s23], $0x1  }
0xa9: {  	[sflag:s23] =	ssyncset.done $0x0  }
0xaa: {  	s25 =	simm.s32 $0x1B8E;
	s24 =	sld [smem:$0x3FFE];
	[sflag:s23] =	ssyncadd.s32 $0xFFFFFFFF  }
0xab: {  	s26 =	simm.s32 $execute0_lowered;
	[smem:$0x3FD2] =	sst s25  }
0xac: {  	s6 =	sshll.u32 s26, $0x1;
	_ =	strace $0x80000046;
	[dreg:$0x1] =	wrdreg $0xFFFFFFFF  }
0xad: {  	s28 =	simm.s32 $_size_execute0_lowered;
	s4 =	sadd.s32 s4, s6;
	[dreg:$0x0] =	wrdreg $0x0  }
0xae: {  	s6 =	sshll.u32 s28, $0x1;
	[dreg:$0x2] =	wrdreg s4  }
0xaf: {  	[dreg:$0x3] =	wrdreg s6  }
0xb0: {  	[dreg:$0x4] =	wrdreg $0xC0  }
0xb1: {  	_ =	task [dreg:s8], $0x5FFFF  }
0xb2: {  	[dreg:$0x1] =	wrdreg $0xFFFFFFFF  }
0xb3: {  	[dreg:$0x0] =	wrdreg $0x60  }
0xb4: {  	[dreg:$0x2] =	wrdreg s24  }
0xb5: {  	[dreg:$0x3] =	wrdreg s16  }
0xb6: {  	[dreg:$0x4] =	wrdreg s17  }
0xb7: {  	[dreg:$0x5] =	wrdreg $0x68000  }
0xb8: {  	[dreg:$0x6] =	wrdreg $0x9  }
0xb9: {  	_ =	task.clear_ibuf [dreg:s8], $0x7FFFF;
	_ =	strace $0x90000046  }
0xba: {  	s29 =	simm.s32 $0x9;
	_ =	strace $0x80000048  }
0xbb: {  	_ =	swait.ge [sflag:s29], $0x1  }
0xbc: {  	[sflag:s29] =	ssyncadd.s32 $0xFFFFFFFF  }
0xbd: {  	_ =	strace $0x90000048  }
0xbe: {  	_ =	sfence  }
0xbf: {  	s30 =	sld [smem:$0x0];
	_ =	sdelay $0x2  }
0xc0: {  	s31 =	sshll.u32 s1, $0xD;
	s1 =	sshrl.u32 s1, $0x2  }
0xc1: {  	s3 =	sand.u32 $0x4000, s31;
	s1 =	sadd.s32 s1, s30  }
0xc2: {  	s0 =	sor.u32 s3, s0;
	s1 =	sshll.u32 s1, $0x11  }
0xc3: {  	s0 =	sor.u32 s1, s0  }
0xc4: {  	s0 =	sadd.s32 $0x8F2B, s0  }
0xc5: {  	[sflag:s0] =	ssyncadd.remote.s32 $0x1  }
0xc6: {  	_ =	sfence.sel $0xFFFF  }
0xc7: {  	[dreg:$0x0] =	wrdreg $0xFFFFFFFF;
	(pc) =	sbr.abs _section_cstart, $3  }
0xc8: {  	[dreg:$0x1] =	wrdreg $0xFFFFFFFF  }
0xc9: {  	_ =	task.clear_ibuf [dreg:s8], $0x2FFFF;
	_ =	strace $0x9FFFFFFF  }
0xca: {  	(tm) =	ssettm $0x7FFFFFFF  }
0xcb: {  	_ =	shalt  }
tec
execute0_lowered:
.L_overlay_start_1:
0x0: {  	(tag) =	ssettag $0x1  }
0x1: {  	s6 =	rddreg [dreg:$0x0]  }
0x2: {  	s0 =	rddreg [dreg:$0x1]  }
0x3: {  	s3 =	rddreg [dreg:$0x2];
	s1 =	srdreg.scid  }
0x4: {  	s4 =	rddreg [dreg:$0x3];
	s2 =	stileid.u32;
	s5 =	simm.s32 $0x0  }
0x5: {  	s12 =	simm.s32 $0x2800;
	s13 =	simm.s32 $0x80;
	s14 =	simm.s32 $0x0  }
0x6: {  	s7 =	sand.u32 $0x1, s1;
	s1 =	rddreg [dreg:$0x4];
	s9 =	smul.u32 $0xA000, s2  }
0x7: {  	[smem:$0x7FF] =	sst s5;
	s10 =	sshll.u32 s2, $0x1;
	s26 =	smul.u32 $0x28000, s2  }
0x8: {  	s31 =	sshll.u32 s2, $0x6;
	s8 =	smul.u32 $0x140000, s7;
	s10 =	sor.u32 s7, s10  }
0x9: {  	s7 =	ssub.s32 $0x2, s7;
	_ =	strace $0x80000047;
	s10 =	smul.u32 $0x2800, s10  }
0xa: {  	s11 =	sshrl.u32 s7, $0x1;
	s28 =	sshrl.u32 s26, $0x2;
	s8 =	sadd.s32 s9, s8  }
0xb: {  	s11 =	ssub.s32 s7, s11;
	s30 =	sadd.s32 s28, s4;
	s29 =	sshrl.u32 s10, $0x3  }
0xc: {  	s8 =	sshrl.u32 s8, $0x3;
	s10 =	sshrl.u32 s30, $0x3;
	s9 =	sadd.s32 s6, s29  }
0xd: {  	s8 =	sadd.s32 s8, s6;
	s6 =	sor.u32 $0x1C01, s31;
	s7 =	sadd.s32 $0xCC00, s9  }
0xe: {  	s8 =	sadd.s32 $0x16C00, s8;
	s9 =	smax.u32 s11, $0x1;
	s11 =	simm.s32 $0x1  }
.LBB2_1:
0xf: {  	[spmem:s10], [sflag:s6] =	dma.local [hbm:s3], $0x1400  }
0x10: {  	_ =	swait.ge [sflag:s11], $0x1400  }
0x11: {  	[sflag:s11] =	ssyncset.done $0x0  }
0x12: {  	[sflag:s11] =	ssyncadd.s32 $0xFFFFEC00  }
0x13: {  	[tilespmem:s12], [sflag:$0x1] =	stream.linear.gather [hbm4b:s0+s5], $0x4000, $0x38;
	[tilespmem:$0x7C00] =	vst v63  }
0x14: {  	_ =	swait.ge [sflag:s11], $0x4000  }
0x15: {  	[sflag:s11] =	ssyncset.done $0x0  }
0x16: {  	[sflag:s11] =	ssyncadd.s32 $0xFFFFC000  }
0x17: {  	[tilespmem:s5], [sflag:$0x1] =	stream.linear.gather [hbm4b:s7+s5], $0x2800, $0x38;
	[tilespmem:$0x7C00] =	vst v63  }
0x18: {  	_ =	swait.ge [sflag:s11], $0x2800  }
0x19: {  	[sflag:s11] =	ssyncset.done $0x0  }
0x1a: {  	[sflag:s11] =	ssyncadd.s32 $0xFFFFD800  }
0x1b: {  	s15 =	simm.s32 $0x0;
	[bflag:$0x0] =	sbarrier.arrive $0xFFFF  }
0x1c: {  	[spmem:s4] =	stream.indirect.scatter.add.f32 [tilespmem:s12], [sflag:$0x1], $0x8, s15, s13, $0xb8;
	[tilespmem:$0x7C00] =	vst v63  }
0x1d: {  	_ =	swait.ge [sflag:s11], $0x400  }
0x1e: {  	s15 =	simm.s32 $0x200;
	[sflag:s11] =	ssyncset.done $0x0  }
.LBB2_2:
0x1f: {  	s16 =	sshra.s32 s15, $0x2;
	[sflag:s11] =	ssyncadd.s32 $0xFFFFFC00;
	p0 =	sne.s32 s15, $0x9E00  }
0x20: {  	[spmem:s4] =	stream.indirect.scatter.add.f32 [tilespmem:s12], [sflag:$0x1], $0x8, s16, s13, $0xb8;
	[tilespmem:$0x7C00] =	vst v63  }
.Ltmp0:
0x21: {  	_ = 	snop;
	(pc) =	sbr.rel @p0 .LBB2_2-.Ltmp0, $4  }
0x22: {  	_ = 	snop  }
0x23: {  	s15 =	sadd.s32 $0x200, s15  }
0x24: {  	_ =	swait.ge [sflag:s11], $0x400  }
0x25: {  	[sflag:s11] =	ssyncset.done $0x0  }
0x26: {  	s14 =	sadd.s32 $0x1, s14  }
0x27: {  	[sflag:s11] =	ssyncadd.s32 $0xFFFFFC00;
	p0 =	sne.s32 s14, s9  }
.Ltmp1:
0x28: {  	[bflag:$0x0] =	sbarrier.arrive $0xFFFF;
	(pc) =	sbr.rel @p0 .LBB2_1-.Ltmp1, $4  }
0x29: {  	[hbm:s8], [sflag:s6] =	dma.local [spmem:s10], $0x1400  }
0x2a: {  	_ =	swait.ge [sflag:s11], $0x1400  }
0x2b: {  	[sflag:s11] =	ssyncset.done $0x0  }
0x2c: {  	[sflag:s11] =	ssyncadd.s32 $0xFFFFEC00  }
0x2d: {  	_ =	sfence.sel $0x180000  }
0x2e: {  	[bflag:$0x0] =	sbarrier.arrive $0xFFFF  }
0x2f: {  	p0 =	sne.s32 s2, $0x0;
	_ =	strace $0x90000047  }
0x30: {  	s0 =	sadd.s32 @!p0 $0x100000, s1;
	[bflag:$0x2] =	sbarrier.arrive $0xFFFF  }
0x31: {  	[sflag:s0] =	ssyncadd.tile.s32 @!p0 $0x1;
	_ =	shalt  }
.Lfunc_end2:
_tile_overlayer_lowered:
.L_overlay_start_2:
0x32: {  	(tag) =	ssettag $0x2  }
0x33: {  	s0 =	rddreg [dreg:$0x0];
	s2 =	stileid.u32  }
0x34: {  	s1 =	rddreg [dreg:$0x1];
	p0 =	sne.s32 s2, $0x0  }
0x35: {  	s3 =	rddreg [dreg:$0x2];
	[bflag:$0x3] =	sbarrier.arrive $0xFFFF;
	s2 =	simm.s32 @!p0 $0x1C01  }
0x36: {  	[timem:s3], [sflag:s2] =	dma.local @!p0 [hbm:s0], s1  }
0x37: {  	s0 =	simm.s32 @!p0 $0x1  }
0x38: {  	_ =	swait.ge @!p0 [sflag:s0], s1  }
0x39: {  	s1 =	ssub.s32 @!p0 $0x0, s1;
	[sflag:s0] =	ssyncset.done @!p0 $0x0  }
0x3a: {  	[sflag:s0] =	ssyncadd.s32 @!p0 s1  }
0x3b: {  	[bflag:$0x3] =	sbarrier.arrive $0xFFFF  }
0x3c: {  	_ =	shalt  }

</sc_bundles>
